<compile_context>
chip_gen: v7x
topology: tpu7x:2x2x1
jax: 0.10.2.dev20260603
libtpu: 0.0.44.dev20260713+nightly
codegen_flags: <defaults>
</compile_context>

<pallas_src>
import functools

import jax
import jax.numpy as jnp
from jax import lax
from jax.experimental import pallas as pl
from jax.experimental.pallas import tpu as pltpu
from jax.experimental.pallas import tpu_sc as plsc

N = 10000
E = 320000
D = 128
DH = 64
DMID = 256

NPAD = 10240
C = 128
K = 160
EPAD = 16 * K * C
ROWS_PER_TILE = NPAD // 16
NBUF = 5
G = K // NBUF


@functools.cache
def _build_sc_agg():
  mesh = plsc.VectorSubcoreMesh(core_axis_name="c", subcore_axis_name="s")

  @functools.partial(
      pl.kernel,
      mesh=mesh,
      out_type=[
          jax.ShapeDtypeStruct((2, NPAD, DH), jnp.float32),
          jax.ShapeDtypeStruct((2, NPAD), jnp.float32),
      ],
      scratch_types=[
          pltpu.VMEM((2, 2, NBUF, C), jnp.int32),
          pltpu.VMEM((NBUF, C, DH), jnp.float32),
          pltpu.VMEM((C,), jnp.float32),
          pltpu.VMEM((ROWS_PER_TILE,), jnp.float32),
          pltpu.VMEM_SHARED((NPAD, DH), jnp.float32),
          pltpu.VMEM_SHARED((NPAD, DH), jnp.float32),
          pltpu.VMEM_SHARED((NPAD,), jnp.float32),
      ] + [pltpu.SemaphoreType.DMA] * (2 * NBUF + 1),
      compiler_params=pltpu.CompilerParams(use_tc_tiling_on_sc=False),
  )
  def _sc_agg(x2_hbm, idx_hbm, agg_hbm, deg_hbm,
              idx_v, rows_v, ones_v, zdeg_v, agg_sh, x_sh, deg_sh, *sems):
    gs = sems[:NBUF]
    ss = sems[NBUF:2 * NBUF]
    isem = sems[2 * NBUF]
    c = lax.axis_index("c")
    s = lax.axis_index("s")
    row0 = s * ROWS_PER_TILE

    def _zrow(t, _):
        r = t // 4
        col = (t % 4) * 16
        rows_v[0, r, pl.ds(col, 16)] = jnp.zeros((16,), jnp.float32)
        return 0
    lax.fori_loop(0, C * 4, _zrow, 0)

    def _zdeg(t, _):
        zdeg_v[pl.ds(t * 16, 16)] = jnp.zeros((16,), jnp.float32)
        return 0
    lax.fori_loop(0, ROWS_PER_TILE // 16, _zdeg, 0)

    for i in range(8):
        ones_v[pl.ds(i * 16, 16)] = jnp.ones((16,), jnp.float32)

    for kk in range(ROWS_PER_TILE // C):
        pltpu.sync_copy(rows_v.at[0], agg_sh.at[pl.ds(row0 + kk * C, C)])
    pltpu.sync_copy(zdeg_v, deg_sh.at[pl.ds(row0, ROWS_PER_TILE)])

    pltpu.sync_copy(x2_hbm.at[pl.ds(c * NPAD + row0, ROWS_PER_TILE)],
                    x_sh.at[pl.ds(row0, ROWS_PER_TILE)])

    pltpu.sync_copy(idx_hbm.at[s, 0], idx_v.at[0])

    plsc.subcore_barrier()

    def _group(g, _):
        p = lax.rem(g, 2)

        @pl.when(g > 0)
        def _():
            pltpu.make_async_copy(idx_hbm.at[s, g], idx_v.at[p], isem).wait()

        for b in range(NBUF):

            @pl.when(g > 0)
            def _():
                pltpu.make_async_copy(
                    rows_v.at[b], agg_sh.at[idx_v.at[p, 1, b]], ss[b]).wait()

                @pl.when(c == (b % 2))
                def _():
                    pltpu.make_async_copy(
                        ones_v, deg_sh.at[idx_v.at[p, 1, b]], ss[b]).wait()

            pltpu.async_copy(
                x_sh.at[idx_v.at[p, 0, b]], rows_v.at[b], gs[b])

        @pl.when(g + 1 < G)
        def _():
            pltpu.async_copy(idx_hbm.at[s, g + 1], idx_v.at[1 - p], isem)

        for b in range(NBUF):
            pltpu.make_async_copy(
                x_sh.at[idx_v.at[p, 0, b]], rows_v.at[b], gs[b]).wait()
            pltpu.async_copy(
                rows_v.at[b], agg_sh.at[idx_v.at[p, 1, b]], ss[b], add=True)

            @pl.when(c == (b % 2))
            def _():
                pltpu.async_copy(
                    ones_v, deg_sh.at[idx_v.at[p, 1, b]], ss[b], add=True)
        return 0
    lax.fori_loop(0, G, _group, 0)

    for b in range(NBUF):
        pltpu.make_async_copy(
            rows_v.at[b], agg_sh.at[idx_v.at[(G - 1) % 2, 1, b]], ss[b]).wait()

        @pl.when(c == (b % 2))
        def _():
            pltpu.make_async_copy(
                ones_v, deg_sh.at[idx_v.at[(G - 1) % 2, 1, b]], ss[b]).wait()

    plsc.subcore_barrier()

    pltpu.sync_copy(agg_sh.at[pl.ds(row0, ROWS_PER_TILE)],
                    agg_hbm.at[c, pl.ds(row0, ROWS_PER_TILE)])

    pltpu.sync_copy(deg_sh.at[pl.ds(row0, ROWS_PER_TILE)],
                    deg_hbm.at[c, pl.ds(row0, ROWS_PER_TILE)])

  return _sc_agg


BN = 2000


def _tc_body(parts_ref, degc_ref, x_ref, wc_ref, bc_ref, w1_ref, b1_ref,
             w2_ref, b2_ref, out_ref):
    degm = jnp.maximum(degc_ref[0] + degc_ref[1], 1.0)
    a0 = parts_ref[0] / degm
    a1 = parts_ref[1] / degm
    conv = (jnp.dot(a0, wc_ref[0:DH, :], preferred_element_type=jnp.float32)
            + jnp.dot(a1, wc_ref[DH:D, :], preferred_element_type=jnp.float32))
    h = jnp.maximum(conv + bc_ref[...], 0.0)
    z = x_ref[...] + h
    mid = jnp.maximum(
        jnp.dot(z, w1_ref[...], preferred_element_type=jnp.float32) + b1_ref[...], 0.0)
    out_ref[...] = h + jnp.dot(
        mid, w2_ref[...], preferred_element_type=jnp.float32) + b2_ref[...]


_tc_fused = pl.pallas_call(
    _tc_body,
    grid=(N // BN,),
    in_specs=[
        pl.BlockSpec((2, BN, DH), lambda i: (0, i, 0)),
        pl.BlockSpec((2, BN, 1), lambda i: (0, i, 0)),
        pl.BlockSpec((BN, D), lambda i: (i, 0)),
        pl.BlockSpec((D, D), lambda i: (0, 0)),
        pl.BlockSpec((1, D), lambda i: (0, 0)),
        pl.BlockSpec((D, DMID), lambda i: (0, 0)),
        pl.BlockSpec((1, DMID), lambda i: (0, 0)),
        pl.BlockSpec((DMID, D), lambda i: (0, 0)),
        pl.BlockSpec((1, D), lambda i: (0, 0)),
    ],
    out_specs=pl.BlockSpec((BN, D), lambda i: (i, 0)),
    out_shape=jax.ShapeDtypeStruct((N, D), jnp.float32),
)


def kernel(x, edge_index, Wc, bc, W1, b1, W2, b2):
    x = x.astype(jnp.float32)
    src = edge_index[0].astype(jnp.int32)
    dst = edge_index[1].astype(jnp.int32)
    pad = EPAD - E
    src_p = jnp.concatenate([src, jnp.zeros((pad,), jnp.int32)])
    dst_p = jnp.concatenate([dst, jnp.full((pad,), NPAD - 1, jnp.int32)])
    src_g = src_p.reshape(16, G, 1, NBUF, C)
    dst_g = dst_p.reshape(16, G, 1, NBUF, C)
    idx = jnp.concatenate([src_g, dst_g], axis=2)
    x2 = (jnp.zeros((2 * NPAD, DH), jnp.float32)
          .at[:N].set(x[:, :DH]).at[NPAD:NPAD + N].set(x[:, DH:]))
    agg_parts, deg = _build_sc_agg()(x2, idx)
    out = _tc_fused(agg_parts, deg.reshape(2, NPAD, 1), x, Wc,
                    bc.reshape(1, D), W1, b1.reshape(1, DMID), W2,
                    b2.reshape(1, D))
    return out

# --- scband reference (transcript-rebuilt; emitter-appended) ---
"""Pipeline reference for scband-gnnplus-layer-44805098832141 (READ-ONLY COPY).

The authoritative reference and input builder live on the scoring server;
editing this copy changes nothing except your own understanding.
"""

import jax, jax.numpy as jnp
import numpy as np

N = 10000
E = 320000
D = 128
DMID = 256

def setup_inputs(seed: int = 0) -> dict:
    key = jax.random.key(seed)
    ks = jax.random.split(key, 9)
    x = jax.random.normal(ks[0], (N, D), dtype=jnp.float32)
    edge_index = jax.random.randint(ks[1], (2, E), 0, N, dtype=jnp.int64)
    # conv (GCN-style) weights
    Wc = jax.random.normal(ks[2], (D, D), dtype=jnp.float32) * 0.05
    bc = jnp.zeros((D,), dtype=jnp.float32)
    # mlp: Linear(D, 2D) -> ReLU -> Linear(2D, D)
    W1 = jax.random.normal(ks[3], (D, DMID), dtype=jnp.float32) * 0.05
    b1 = jnp.zeros((DMID,), dtype=jnp.float32)
    W2 = jax.random.normal(ks[4], (DMID, D), dtype=jnp.float32) * 0.05
    b2 = jnp.zeros((D,), dtype=jnp.float32)
    return {"x": x, "edge_index": edge_index, "Wc": Wc, "bc": bc,
            "W1": W1, "b1": b1, "W2": W2, "b2": b2}

def reference(x, edge_index, Wc, bc, W1, b1, W2, b2):
    # proj = Identity (din == dout); norm = Identity; dropout in eval mode = identity
    x_in = x
    src = edge_index[0]
    dst = edge_index[1]
    # GCN-style mean aggregation conv: gather messages, scatter-add to dst, normalize by degree
    msgs = jnp.take(x, src, axis=0)                      # [E, D] gather
    agg = jax.ops.segment_sum(msgs, dst, num_segments=N)  # [N, D] scatter-add
    deg = jax.ops.segment_sum(jnp.ones((E,), dtype=jnp.float32), dst, num_segments=N)
    agg = agg / jnp.maximum(deg, 1.0)[:, None]
    conv_out = agg @ Wc + bc
    h = jax.nn.relu(conv_out)                            # relu(drop(norm(conv(x))))
    # mlp(x_in + h)
    mid = jax.nn.relu((x_in + h) @ W1 + b1)
    mlp_out = mid @ W2 + b2
    return h + mlp_out

if __name__ == "__main__":
    import jax
    _d = setup_inputs()
    print(jax.jit(kernel)(*tuple(_d.values())))

</pallas_src>

<mosaic_0001>
#map = affine_map<(d0, d1) -> (0, 0)>
#map1 = affine_map<(d0, d1) -> (0, 0, 0, 0, 0)>
#map2 = affine_map<(d0, d1) -> (0, 0, 0)>
module attributes {stable_mosaic.version = 14 : i64} {
  func.func @_sc_agg(%arg0: i32, %arg1: i32, %arg2: memref<20480x64xf32, #tpu.memory_space<hbm>>, %arg3: memref<16x32x2x5x128xi32, #tpu.memory_space<hbm>>, %arg4: memref<2x10240x64xf32, #tpu.memory_space<hbm>>, %arg5: memref<2x10240xf32, #tpu.memory_space<hbm>>, %arg6: memref<2x2x5x128xi32, #tpu.memory_space<vmem>>, %arg7: memref<5x128x64xf32, #tpu.memory_space<vmem>>, %arg8: memref<128xf32, #tpu.memory_space<vmem>>, %arg9: memref<640xf32, #tpu.memory_space<vmem>>, %arg10: memref<10240x64xf32, #tpu.memory_space<vmem_shared>>, %arg11: memref<10240x64xf32, #tpu.memory_space<vmem_shared>>, %arg12: memref<10240xf32, #tpu.memory_space<vmem_shared>>, %arg13: memref<!tpu.dma_semaphore, #tpu.memory_space<semaphore_mem>>, %arg14: memref<!tpu.dma_semaphore, #tpu.memory_space<semaphore_mem>>, %arg15: memref<!tpu.dma_semaphore, #tpu.memory_space<semaphore_mem>>, %arg16: memref<!tpu.dma_semaphore, #tpu.memory_space<semaphore_mem>>, %arg17: memref<!tpu.dma_semaphore, #tpu.memory_space<semaphore_mem>>, %arg18: memref<!tpu.dma_semaphore, #tpu.memory_space<semaphore_mem>>, %arg19: memref<!tpu.dma_semaphore, #tpu.memory_space<semaphore_mem>>, %arg20: memref<!tpu.dma_semaphore, #tpu.memory_space<semaphore_mem>>, %arg21: memref<!tpu.dma_semaphore, #tpu.memory_space<semaphore_mem>>, %arg22: memref<!tpu.dma_semaphore, #tpu.memory_space<semaphore_mem>>, %arg23: memref<!tpu.dma_semaphore, #tpu.memory_space<semaphore_mem>>) attributes {dimension_semantics = [#tpu.dimension_semantics<core_parallel>, #tpu.dimension_semantics<subcore_parallel>], iteration_bounds = array<i64: 2, 16>, scalar_prefetch = 0 : i64, scratch_operands = 18 : i64, tpu.core_type = #tpu.core_type<sc_vector_subcore>, window_params = [{transform_indices = #map}, {transform_indices = #map1}, {transform_indices = #map2}, {transform_indices = #map}]} {
    %mul3A = arith.constant 640 : i32
    %mul3A_0 = arith.muli %arg1, %mul3A : i32
    %scan3A = arith.constant 0 : i32
    %scan3A_1 = arith.constant 0 : i32
    %scan3A_2 = arith.constant 512 : i32
    %scan3A_3 = arith.addi %scan3A_1, %scan3A_2 : i32
    %scan3A_4 = arith.constant 1 : i32
    %scan3A_5 = scf.for %scan3A_177 = %scan3A_1 to %scan3A_3 step %scan3A_4 iter_args(%scan3A_178 = %scan3A) -> (i32)  : i32 {
      %jit3A = arith.constant 4 : i32
      %div3A = arith.divsi %scan3A_177, %jit3A : i32
      %sign3A = arith.constant 0 : i32
      %sign3A_179 = arith.cmpi sgt, %scan3A_177, %sign3A : i32
      %sign3A_180 = arith.extui %sign3A_179 : i1 to i32
      %sign3A_181 = arith.constant 0 : i32
      %sign3A_182 = arith.cmpi slt, %scan3A_177, %sign3A_181 : i32
      %sign3A_183 = arith.extui %sign3A_182 : i1 to i32
      %sign3A_184 = arith.subi %sign3A_180, %sign3A_183 : i32
      %sign3A_185 = arith.constant 0 : i32
      %sign3A_186 = arith.cmpi sgt, %jit3A, %sign3A_185 : i32
      %sign3A_187 = arith.extui %sign3A_186 : i1 to i32
      %sign3A_188 = arith.constant 0 : i32
      %sign3A_189 = arith.cmpi slt, %jit3A, %sign3A_188 : i32
      %sign3A_190 = arith.extui %sign3A_189 : i1 to i32
      %sign3A_191 = arith.subi %sign3A_187, %sign3A_190 : i32
      %ne3A = arith.cmpi ne, %sign3A_184, %sign3A_191 : i32
      %rem3A = arith.remsi %scan3A_177, %jit3A : i32
      %ne3A_192 = arith.constant 0 : i32
      %ne3A_193 = arith.cmpi ne, %rem3A, %ne3A_192 : i32
      %and3A = arith.andi %ne3A, %ne3A_193 : i1
      %sub3A = arith.constant 1 : i32
      %sub3A_194 = arith.subi %div3A, %sub3A : i32
      %select_n3A = arith.select %and3A, %sub3A_194, %div3A : i32
      %jit3A_195 = arith.constant 4 : i32
      %eq3A_196 = arith.constant 0 : i32
      %eq3A_197 = arith.cmpi eq, %jit3A_195, %eq3A_196 : i32
      %jit3A_198 = arith.constant 1 : i32
      %select_n3A_199 = arith.select %eq3A_197, %jit3A_198, %jit3A_195 : i32
      %rem3A_200 = arith.remsi %scan3A_177, %select_n3A_199 : i32
      %ne3A_201 = arith.constant 0 : i32
      %ne3A_202 = arith.cmpi ne, %rem3A_200, %ne3A_201 : i32
      %lt3A = arith.constant 0 : i32
      %lt3A_203 = arith.cmpi slt, %rem3A_200, %lt3A : i32
      %lt3A_204 = arith.constant 0 : i32
      %lt3A_205 = arith.cmpi slt, %select_n3A_199, %lt3A_204 : i32
      %ne3A_206 = arith.xori %lt3A_203, %lt3A_205 : i1
      %and3A_207 = arith.andi %ne3A_206, %ne3A_202 : i1
      %add3A_208 = arith.addi %rem3A_200, %select_n3A_199 : i32
      %select_n3A_209 = arith.select %and3A_207, %add3A_208, %rem3A_200 : i32
      %mul3A_210 = arith.constant 16 : i32
      %mul3A_211 = arith.muli %select_n3A_209, %mul3A_210 : i32
      %broadcast_in_dim3A_212 = arith.constant 0.000000e+00 : f32
      %broadcast_in_dim3A_213 = vector.broadcast %broadcast_in_dim3A_212 : f32 to vector<16xf32>
      %swap3A_214 = arith.constant 0 : i32
      %swap3A_215 = arith.index_cast %swap3A_214 : i32 to index
      %swap3A_216 = arith.index_cast %select_n3A : i32 to index
      %swap3A_217 = arith.index_cast %mul3A_211 : i32 to index
      %swap3A_218 = tpu.vector_load %arg7[%swap3A_215, %swap3A_216, %swap3A_217] {strides = array<i32>} : memref<5x128x64xf32, #tpu.memory_space<vmem>>, vector<1x1x16xf32>,
      %swap3A_219 = vector.shape_cast %swap3A_218 : vector<1x1x16xf32> to vector<16xf32>
      %swap3A_220 = vector.shape_cast %broadcast_in_dim3A_213 : vector<16xf32> to vector<1x1x16xf32>
      tpu.vector_store %arg7[%swap3A_215, %swap3A_216, %swap3A_217], %swap3A_220 {strides = array<i32>} : memref<5x128x64xf32, #tpu.memory_space<vmem>>, vector<1x1x16xf32>,
      %scan3A_221 = arith.constant 0 : i32
      scf.yield %scan3A_221 : i32
    }
    %scan3A_6 = arith.constant 512 : i32
    %scan3A_7 = arith.constant 0 : i32
    %scan3A_8 = arith.constant 0 : i32
    %scan3A_9 = arith.constant 40 : i32
    %scan3A_10 = arith.addi %scan3A_8, %scan3A_9 : i32
    %scan3A_11 = arith.constant 1 : i32
    %scan3A_12 = scf.for %scan3A_177 = %scan3A_8 to %scan3A_10 step %scan3A_11 iter_args(%scan3A_178 = %scan3A_7) -> (i32)  : i32 {
      %broadcast_in_dim3A_179 = arith.constant 0.000000e+00 : f32
      %broadcast_in_dim3A_180 = vector.broadcast %broadcast_in_dim3A_179 : f32 to vector<16xf32>
      %mul3A_181 = arith.constant 16 : i32
      %mul3A_182 = arith.muli %scan3A_177, %mul3A_181 : i32
      %swap3A_183 = arith.index_cast %mul3A_182 : i32 to index
      %swap3A_184 = tpu.vector_load %arg9[%swap3A_183] {strides = array<i32>} : memref<640xf32, #tpu.memory_space<vmem>>, vector<16xf32>,
      %swap3A_185 = vector.shape_cast %swap3A_184 : vector<16xf32> to vector<16xf32>
      %swap3A_186 = vector.shape_cast %broadcast_in_dim3A_180 : vector<16xf32> to vector<16xf32>
      tpu.vector_store %arg9[%swap3A_183], %swap3A_186 {strides = array<i32>} : memref<640xf32, #tpu.memory_space<vmem>>, vector<16xf32>,
      %scan3A_187 = arith.constant 0 : i32
      scf.yield %scan3A_187 : i32
    }
    %scan3A_13 = arith.constant 40 : i32
    %broadcast_in_dim3A = arith.constant 1.000000e+00 : f32
    %broadcast_in_dim3A_14 = vector.broadcast %broadcast_in_dim3A : f32 to vector<16xf32>
    %swap3A = arith.constant 0 : index
    %swap3A_15 = tpu.vector_load %arg8[%swap3A] {strides = array<i32>} : memref<128xf32, #tpu.memory_space<vmem>>, vector<16xf32>,
    %swap3A_16 = vector.shape_cast %swap3A_15 : vector<16xf32> to vector<16xf32>
    %swap3A_17 = vector.shape_cast %broadcast_in_dim3A_14 : vector<16xf32> to vector<16xf32>
    tpu.vector_store %arg8[%swap3A], %swap3A_17 {strides = array<i32>} : memref<128xf32, #tpu.memory_space<vmem>>, vector<16xf32>,
    %broadcast_in_dim3A_18 = arith.constant 1.000000e+00 : f32
    %broadcast_in_dim3A_19 = vector.broadcast %broadcast_in_dim3A_18 : f32 to vector<16xf32>
    %swap3A_20 = arith.constant 16 : index
    %swap3A_21 = tpu.vector_load %arg8[%swap3A_20] {strides = array<i32>} : memref<128xf32, #tpu.memory_space<vmem>>, vector<16xf32>,
    %swap3A_22 = vector.shape_cast %swap3A_21 : vector<16xf32> to vector<16xf32>
    %swap3A_23 = vector.shape_cast %broadcast_in_dim3A_19 : vector<16xf32> to vector<16xf32>
    tpu.vector_store %arg8[%swap3A_20], %swap3A_23 {strides = array<i32>} : memref<128xf32, #tpu.memory_space<vmem>>, vector<16xf32>,
    %broadcast_in_dim3A_24 = arith.constant 1.000000e+00 : f32
    %broadcast_in_dim3A_25 = vector.broadcast %broadcast_in_dim3A_24 : f32 to vector<16xf32>
    %swap3A_26 = arith.constant 32 : index
    %swap3A_27 = tpu.vector_load %arg8[%swap3A_26] {strides = array<i32>} : memref<128xf32, #tpu.memory_space<vmem>>, vector<16xf32>,
    %swap3A_28 = vector.shape_cast %swap3A_27 : vector<16xf32> to vector<16xf32>
    %swap3A_29 = vector.shape_cast %broadcast_in_dim3A_25 : vector<16xf32> to vector<16xf32>
    tpu.vector_store %arg8[%swap3A_26], %swap3A_29 {strides = array<i32>} : memref<128xf32, #tpu.memory_space<vmem>>, vector<16xf32>,
    %broadcast_in_dim3A_30 = arith.constant 1.000000e+00 : f32
    %broadcast_in_dim3A_31 = vector.broadcast %broadcast_in_dim3A_30 : f32 to vector<16xf32>
    %swap3A_32 = arith.constant 48 : index
    %swap3A_33 = tpu.vector_load %arg8[%swap3A_32] {strides = array<i32>} : memref<128xf32, #tpu.memory_space<vmem>>, vector<16xf32>,
    %swap3A_34 = vector.shape_cast %swap3A_33 : vector<16xf32> to vector<16xf32>
    %swap3A_35 = vector.shape_cast %broadcast_in_dim3A_31 : vector<16xf32> to vector<16xf32>
    tpu.vector_store %arg8[%swap3A_32], %swap3A_35 {strides = array<i32>} : memref<128xf32, #tpu.memory_space<vmem>>, vector<16xf32>,
    %broadcast_in_dim3A_36 = arith.constant 1.000000e+00 : f32
    %broadcast_in_dim3A_37 = vector.broadcast %broadcast_in_dim3A_36 : f32 to vector<16xf32>
    %swap3A_38 = arith.constant 64 : index
    %swap3A_39 = tpu.vector_load %arg8[%swap3A_38] {strides = array<i32>} : memref<128xf32, #tpu.memory_space<vmem>>, vector<16xf32>,
    %swap3A_40 = vector.shape_cast %swap3A_39 : vector<16xf32> to vector<16xf32>
    %swap3A_41 = vector.shape_cast %broadcast_in_dim3A_37 : vector<16xf32> to vector<16xf32>
    tpu.vector_store %arg8[%swap3A_38], %swap3A_41 {strides = array<i32>} : memref<128xf32, #tpu.memory_space<vmem>>, vector<16xf32>,
    %broadcast_in_dim3A_42 = arith.constant 1.000000e+00 : f32
    %broadcast_in_dim3A_43 = vector.broadcast %broadcast_in_dim3A_42 : f32 to vector<16xf32>
    %swap3A_44 = arith.constant 80 : index
    %swap3A_45 = tpu.vector_load %arg8[%swap3A_44] {strides = array<i32>} : memref<128xf32, #tpu.memory_space<vmem>>, vector<16xf32>,
    %swap3A_46 = vector.shape_cast %swap3A_45 : vector<16xf32> to vector<16xf32>
    %swap3A_47 = vector.shape_cast %broadcast_in_dim3A_43 : vector<16xf32> to vector<16xf32>
    tpu.vector_store %arg8[%swap3A_44], %swap3A_47 {strides = array<i32>} : memref<128xf32, #tpu.memory_space<vmem>>, vector<16xf32>,
    %broadcast_in_dim3A_48 = arith.constant 1.000000e+00 : f32
    %broadcast_in_dim3A_49 = vector.broadcast %broadcast_in_dim3A_48 : f32 to vector<16xf32>
    %swap3A_50 = arith.constant 96 : index
    %swap3A_51 = tpu.vector_load %arg8[%swap3A_50] {strides = array<i32>} : memref<128xf32, #tpu.memory_space<vmem>>, vector<16xf32>,
    %swap3A_52 = vector.shape_cast %swap3A_51 : vector<16xf32> to vector<16xf32>
    %swap3A_53 = vector.shape_cast %broadcast_in_dim3A_49 : vector<16xf32> to vector<16xf32>
    tpu.vector_store %arg8[%swap3A_50], %swap3A_53 {strides = array<i32>} : memref<128xf32, #tpu.memory_space<vmem>>, vector<16xf32>,
    %broadcast_in_dim3A_54 = arith.constant 1.000000e+00 : f32
    %broadcast_in_dim3A_55 = vector.broadcast %broadcast_in_dim3A_54 : f32 to vector<16xf32>
    %swap3A_56 = arith.constant 112 : index
    %swap3A_57 = tpu.vector_load %arg8[%swap3A_56] {strides = array<i32>} : memref<128xf32, #tpu.memory_space<vmem>>, vector<16xf32>,
    %swap3A_58 = vector.shape_cast %swap3A_57 : vector<16xf32> to vector<16xf32>
    %swap3A_59 = vector.shape_cast %broadcast_in_dim3A_55 : vector<16xf32> to vector<16xf32>
    tpu.vector_store %arg8[%swap3A_56], %swap3A_59 {strides = array<i32>} : memref<128xf32, #tpu.memory_space<vmem>>, vector<16xf32>,
    %add3A = arith.constant 0 : i32
    %add3A_60 = arith.addi %mul3A_0, %add3A : i32
    %run_scoped3A = arith.constant 0 : i32
    "tpu.region"() ({
      %run_scoped3A_177 = tpu.sem_alloc : memref<!tpu.dma_semaphore, #tpu.memory_space<semaphore_mem>>
      %dma_start3A = arith.constant 0 : i32
      %dma_start3A_178 = arith.constant 0 : i32
      %dma_start3A_179 = tpu.memref_slice %arg7[%run_scoped3A, %dma_start3A, %dma_start3A_178] : memref<5x128x64xf32, #tpu.memory_space<vmem>> -> memref<1x128x64xf32, #tpu.memory_space<vmem>>
      %dma_start3A_180 = tpu.memref_squeeze %dma_start3A_179 : memref<1x128x64xf32, #tpu.memory_space<vmem>> -> memref<128x64xf32, #tpu.memory_space<vmem>>
      %dma_start3A_181 = arith.constant 0 : i32
      %dma_start3A_182 = tpu.memref_slice %arg10[%add3A_60, %dma_start3A_181] : memref<10240x64xf32, #tpu.memory_space<vmem_shared>> -> memref<128x64xf32, #tpu.memory_space<vmem_shared>>
      %dma_start3A_183 = arith.constant 0 : i32
      %dma_start3A_184 = tpu.memref_slice %arg10[%add3A_60, %dma_start3A_183] : memref<10240x64xf32, #tpu.memory_space<vmem_shared>> -> memref<128x64xf32, #tpu.memory_space<vmem_shared>>
      %dma_start3A_185 = arith.constant 0 : i32
      %dma_start3A_186 = arith.constant 0 : i32
      %dma_start3A_187 = tpu.memref_slice %arg7[%run_scoped3A, %dma_start3A_185, %dma_start3A_186] : memref<5x128x64xf32, #tpu.memory_space<vmem>> -> memref<1x128x64xf32, #tpu.memory_space<vmem>>
      %dma_start3A_188 = tpu.memref_squeeze %dma_start3A_187 : memref<1x128x64xf32, #tpu.memory_space<vmem>> -> memref<128x64xf32, #tpu.memory_space<vmem>>
      tpu.enqueue_dma source(%dma_start3A_188 : memref<128x64xf32, #tpu.memory_space<vmem>>) target(%dma_start3A_184 : memref<128x64xf32, #tpu.memory_space<vmem_shared>>) target_semaphore(%run_scoped3A_177 : memref<!tpu.dma_semaphore, #tpu.memory_space<semaphore_mem>>)
      %dma_wait3A_189 = arith.constant 0 : i32
      %dma_wait3A_190 = arith.constant 0 : i32
      %dma_wait3A_191 = tpu.memref_slice %arg7[%run_scoped3A, %dma_wait3A_189, %dma_wait3A_190] : memref<5x128x64xf32, #tpu.memory_space<vmem>> -> memref<1x128x64xf32, #tpu.memory_space<vmem>>
      %dma_wait3A_192 = tpu.memref_squeeze %dma_wait3A_191 : memref<1x128x64xf32, #tpu.memory_space<vmem>> -> memref<128x64xf32, #tpu.memory_space<vmem>>
      %dma_wait3A_193 = arith.constant 0 : i32
      %dma_wait3A_194 = tpu.memref_slice %arg10[%add3A_60, %dma_wait3A_193] : memref<10240x64xf32, #tpu.memory_space<vmem_shared>> -> memref<128x64xf32, #tpu.memory_space<vmem_shared>>
      %dma_wait3A_195 = arith.constant 0 : i32
      %dma_wait3A_196 = tpu.memref_slice %arg10[%add3A_60, %dma_wait3A_195] : memref<10240x64xf32, #tpu.memory_space<vmem_shared>> -> memref<128x64xf32, #tpu.memory_space<vmem_shared>>
      %dma_wait3A_197 = arith.constant 0 : i32
      %dma_wait3A_198 = arith.constant 0 : i32
      %dma_wait3A_199 = tpu.memref_slice %arg7[%run_scoped3A, %dma_wait3A_197, %dma_wait3A_198] : memref<5x128x64xf32, #tpu.memory_space<vmem>> -> memref<1x128x64xf32, #tpu.memory_space<vmem>>
      %dma_wait3A_200 = tpu.memref_squeeze %dma_wait3A_199 : memref<1x128x64xf32, #tpu.memory_space<vmem>> -> memref<128x64xf32, #tpu.memory_space<vmem>>
      tpu.wait_dma2 semaphore(%run_scoped3A_177 : memref<!tpu.dma_semaphore, #tpu.memory_space<semaphore_mem>>) src(%dma_wait3A_200 : memref<128x64xf32, #tpu.memory_space<vmem>>) dst(%dma_wait3A_196 : memref<128x64xf32, #tpu.memory_space<vmem_shared>>)
      tpu.yield
    }) : () -> ()
    %add3A_61 = arith.constant 128 : i32
    %add3A_62 = arith.addi %mul3A_0, %add3A_61 : i32
    %run_scoped3A_63 = arith.constant 0 : i32
    "tpu.region"() ({
      %run_scoped3A_177 = tpu.sem_alloc : memref<!tpu.dma_semaphore, #tpu.memory_space<semaphore_mem>>
      %dma_start3A = arith.constant 0 : i32
      %dma_start3A_178 = arith.constant 0 : i32
      %dma_start3A_179 = tpu.memref_slice %arg7[%run_scoped3A_63, %dma_start3A, %dma_start3A_178] : memref<5x128x64xf32, #tpu.memory_space<vmem>> -> memref<1x128x64xf32, #tpu.memory_space<vmem>>
      %dma_start3A_180 = tpu.memref_squeeze %dma_start3A_179 : memref<1x128x64xf32, #tpu.memory_space<vmem>> -> memref<128x64xf32, #tpu.memory_space<vmem>>
      %dma_start3A_181 = arith.constant 0 : i32
      %dma_start3A_182 = tpu.memref_slice %arg10[%add3A_62, %dma_start3A_181] : memref<10240x64xf32, #tpu.memory_space<vmem_shared>> -> memref<128x64xf32, #tpu.memory_space<vmem_shared>>
      %dma_start3A_183 = arith.constant 0 : i32
      %dma_start3A_184 = tpu.memref_slice %arg10[%add3A_62, %dma_start3A_183] : memref<10240x64xf32, #tpu.memory_space<vmem_shared>> -> memref<128x64xf32, #tpu.memory_space<vmem_shared>>
      %dma_start3A_185 = arith.constant 0 : i32
      %dma_start3A_186 = arith.constant 0 : i32
      %dma_start3A_187 = tpu.memref_slice %arg7[%run_scoped3A_63, %dma_start3A_185, %dma_start3A_186] : memref<5x128x64xf32, #tpu.memory_space<vmem>> -> memref<1x128x64xf32, #tpu.memory_space<vmem>>
      %dma_start3A_188 = tpu.memref_squeeze %dma_start3A_187 : memref<1x128x64xf32, #tpu.memory_space<vmem>> -> memref<128x64xf32, #tpu.memory_space<vmem>>
      tpu.enqueue_dma source(%dma_start3A_188 : memref<128x64xf32, #tpu.memory_space<vmem>>) target(%dma_start3A_184 : memref<128x64xf32, #tpu.memory_space<vmem_shared>>) target_semaphore(%run_scoped3A_177 : memref<!tpu.dma_semaphore, #tpu.memory_space<semaphore_mem>>)
      %dma_wait3A_189 = arith.constant 0 : i32
      %dma_wait3A_190 = arith.constant 0 : i32
      %dma_wait3A_191 = tpu.memref_slice %arg7[%run_scoped3A_63, %dma_wait3A_189, %dma_wait3A_190] : memref<5x128x64xf32, #tpu.memory_space<vmem>> -> memref<1x128x64xf32, #tpu.memory_space<vmem>>
      %dma_wait3A_192 = tpu.memref_squeeze %dma_wait3A_191 : memref<1x128x64xf32, #tpu.memory_space<vmem>> -> memref<128x64xf32, #tpu.memory_space<vmem>>
      %dma_wait3A_193 = arith.constant 0 : i32
      %dma_wait3A_194 = tpu.memref_slice %arg10[%add3A_62, %dma_wait3A_193] : memref<10240x64xf32, #tpu.memory_space<vmem_shared>> -> memref<128x64xf32, #tpu.memory_space<vmem_shared>>
      %dma_wait3A_195 = arith.constant 0 : i32
      %dma_wait3A_196 = tpu.memref_slice %arg10[%add3A_62, %dma_wait3A_195] : memref<10240x64xf32, #tpu.memory_space<vmem_shared>> -> memref<128x64xf32, #tpu.memory_space<vmem_shared>>
      %dma_wait3A_197 = arith.constant 0 : i32
      %dma_wait3A_198 = arith.constant 0 : i32
      %dma_wait3A_199 = tpu.memref_slice %arg7[%run_scoped3A_63, %dma_wait3A_197, %dma_wait3A_198] : memref<5x128x64xf32, #tpu.memory_space<vmem>> -> memref<1x128x64xf32, #tpu.memory_space<vmem>>
      %dma_wait3A_200 = tpu.memref_squeeze %dma_wait3A_199 : memref<1x128x64xf32, #tpu.memory_space<vmem>> -> memref<128x64xf32, #tpu.memory_space<vmem>>
      tpu.wait_dma2 semaphore(%run_scoped3A_177 : memref<!tpu.dma_semaphore, #tpu.memory_space<semaphore_mem>>) src(%dma_wait3A_200 : memref<128x64xf32, #tpu.memory_space<vmem>>) dst(%dma_wait3A_196 : memref<128x64xf32, #tpu.memory_space<vmem_shared>>)
      tpu.yield
    }) : () -> ()
    %add3A_64 = arith.constant 256 : i32
    %add3A_65 = arith.addi %mul3A_0, %add3A_64 : i32
    %run_scoped3A_66 = arith.constant 0 : i32
    "tpu.region"() ({
      %run_scoped3A_177 = tpu.sem_alloc : memref<!tpu.dma_semaphore, #tpu.memory_space<semaphore_mem>>
      %dma_start3A = arith.constant 0 : i32
      %dma_start3A_178 = arith.constant 0 : i32
      %dma_start3A_179 = tpu.memref_slice %arg7[%run_scoped3A_66, %dma_start3A, %dma_start3A_178] : memref<5x128x64xf32, #tpu.memory_space<vmem>> -> memref<1x128x64xf32, #tpu.memory_space<vmem>>
      %dma_start3A_180 = tpu.memref_squeeze %dma_start3A_179 : memref<1x128x64xf32, #tpu.memory_space<vmem>> -> memref<128x64xf32, #tpu.memory_space<vmem>>
      %dma_start3A_181 = arith.constant 0 : i32
      %dma_start3A_182 = tpu.memref_slice %arg10[%add3A_65, %dma_start3A_181] : memref<10240x64xf32, #tpu.memory_space<vmem_shared>> -> memref<128x64xf32, #tpu.memory_space<vmem_shared>>
      %dma_start3A_183 = arith.constant 0 : i32
      %dma_start3A_184 = tpu.memref_slice %arg10[%add3A_65, %dma_start3A_183] : memref<10240x64xf32, #tpu.memory_space<vmem_shared>> -> memref<128x64xf32, #tpu.memory_space<vmem_shared>>
      %dma_start3A_185 = arith.constant 0 : i32
      %dma_start3A_186 = arith.constant 0 : i32
      %dma_start3A_187 = tpu.memref_slice %arg7[%run_scoped3A_66, %dma_start3A_185, %dma_start3A_186] : memref<5x128x64xf32, #tpu.memory_space<vmem>> -> memref<1x128x64xf32, #tpu.memory_space<vmem>>
      %dma_start3A_188 = tpu.memref_squeeze %dma_start3A_187 : memref<1x128x64xf32, #tpu.memory_space<vmem>> -> memref<128x64xf32, #tpu.memory_space<vmem>>
      tpu.enqueue_dma source(%dma_start3A_188 : memref<128x64xf32, #tpu.memory_space<vmem>>) target(%dma_start3A_184 : memref<128x64xf32, #tpu.memory_space<vmem_shared>>) target_semaphore(%run_scoped3A_177 : memref<!tpu.dma_semaphore, #tpu.memory_space<semaphore_mem>>)
      %dma_wait3A_189 = arith.constant 0 : i32
      %dma_wait3A_190 = arith.constant 0 : i32
      %dma_wait3A_191 = tpu.memref_slice %arg7[%run_scoped3A_66, %dma_wait3A_189, %dma_wait3A_190] : memref<5x128x64xf32, #tpu.memory_space<vmem>> -> memref<1x128x64xf32, #tpu.memory_space<vmem>>
      %dma_wait3A_192 = tpu.memref_squeeze %dma_wait3A_191 : memref<1x128x64xf32, #tpu.memory_space<vmem>> -> memref<128x64xf32, #tpu.memory_space<vmem>>
      %dma_wait3A_193 = arith.constant 0 : i32
      %dma_wait3A_194 = tpu.memref_slice %arg10[%add3A_65, %dma_wait3A_193] : memref<10240x64xf32, #tpu.memory_space<vmem_shared>> -> memref<128x64xf32, #tpu.memory_space<vmem_shared>>
      %dma_wait3A_195 = arith.constant 0 : i32
      %dma_wait3A_196 = tpu.memref_slice %arg10[%add3A_65, %dma_wait3A_195] : memref<10240x64xf32, #tpu.memory_space<vmem_shared>> -> memref<128x64xf32, #tpu.memory_space<vmem_shared>>
      %dma_wait3A_197 = arith.constant 0 : i32
      %dma_wait3A_198 = arith.constant 0 : i32
      %dma_wait3A_199 = tpu.memref_slice %arg7[%run_scoped3A_66, %dma_wait3A_197, %dma_wait3A_198] : memref<5x128x64xf32, #tpu.memory_space<vmem>> -> memref<1x128x64xf32, #tpu.memory_space<vmem>>
      %dma_wait3A_200 = tpu.memref_squeeze %dma_wait3A_199 : memref<1x128x64xf32, #tpu.memory_space<vmem>> -> memref<128x64xf32, #tpu.memory_space<vmem>>
      tpu.wait_dma2 semaphore(%run_scoped3A_177 : memref<!tpu.dma_semaphore, #tpu.memory_space<semaphore_mem>>) src(%dma_wait3A_200 : memref<128x64xf32, #tpu.memory_space<vmem>>) dst(%dma_wait3A_196 : memref<128x64xf32, #tpu.memory_space<vmem_shared>>)
      tpu.yield
    }) : () -> ()
    %add3A_67 = arith.constant 384 : i32
    %add3A_68 = arith.addi %mul3A_0, %add3A_67 : i32
    %run_scoped3A_69 = arith.constant 0 : i32
    "tpu.region"() ({
      %run_scoped3A_177 = tpu.sem_alloc : memref<!tpu.dma_semaphore, #tpu.memory_space<semaphore_mem>>
      %dma_start3A = arith.constant 0 : i32
      %dma_start3A_178 = arith.constant 0 : i32
      %dma_start3A_179 = tpu.memref_slice %arg7[%run_scoped3A_69, %dma_start3A, %dma_start3A_178] : memref<5x128x64xf32, #tpu.memory_space<vmem>> -> memref<1x128x64xf32, #tpu.memory_space<vmem>>
      %dma_start3A_180 = tpu.memref_squeeze %dma_start3A_179 : memref<1x128x64xf32, #tpu.memory_space<vmem>> -> memref<128x64xf32, #tpu.memory_space<vmem>>
      %dma_start3A_181 = arith.constant 0 : i32
      %dma_start3A_182 = tpu.memref_slice %arg10[%add3A_68, %dma_start3A_181] : memref<10240x64xf32, #tpu.memory_space<vmem_shared>> -> memref<128x64xf32, #tpu.memory_space<vmem_shared>>
      %dma_start3A_183 = arith.constant 0 : i32
      %dma_start3A_184 = tpu.memref_slice %arg10[%add3A_68, %dma_start3A_183] : memref<10240x64xf32, #tpu.memory_space<vmem_shared>> -> memref<128x64xf32, #tpu.memory_space<vmem_shared>>
      %dma_start3A_185 = arith.constant 0 : i32
      %dma_start3A_186 = arith.constant 0 : i32
      %dma_start3A_187 = tpu.memref_slice %arg7[%run_scoped3A_69, %dma_start3A_185, %dma_start3A_186] : memref<5x128x64xf32, #tpu.memory_space<vmem>> -> memref<1x128x64xf32, #tpu.memory_space<vmem>>
      %dma_start3A_188 = tpu.memref_squeeze %dma_start3A_187 : memref<1x128x64xf32, #tpu.memory_space<vmem>> -> memref<128x64xf32, #tpu.memory_space<vmem>>
      tpu.enqueue_dma source(%dma_start3A_188 : memref<128x64xf32, #tpu.memory_space<vmem>>) target(%dma_start3A_184 : memref<128x64xf32, #tpu.memory_space<vmem_shared>>) target_semaphore(%run_scoped3A_177 : memref<!tpu.dma_semaphore, #tpu.memory_space<semaphore_mem>>)
      %dma_wait3A_189 = arith.constant 0 : i32
      %dma_wait3A_190 = arith.constant 0 : i32
      %dma_wait3A_191 = tpu.memref_slice %arg7[%run_scoped3A_69, %dma_wait3A_189, %dma_wait3A_190] : memref<5x128x64xf32, #tpu.memory_space<vmem>> -> memref<1x128x64xf32, #tpu.memory_space<vmem>>
      %dma_wait3A_192 = tpu.memref_squeeze %dma_wait3A_191 : memref<1x128x64xf32, #tpu.memory_space<vmem>> -> memref<128x64xf32, #tpu.memory_space<vmem>>
      %dma_wait3A_193 = arith.constant 0 : i32
      %dma_wait3A_194 = tpu.memref_slice %arg10[%add3A_68, %dma_wait3A_193] : memref<10240x64xf32, #tpu.memory_space<vmem_shared>> -> memref<128x64xf32, #tpu.memory_space<vmem_shared>>
      %dma_wait3A_195 = arith.constant 0 : i32
      %dma_wait3A_196 = tpu.memref_slice %arg10[%add3A_68, %dma_wait3A_195] : memref<10240x64xf32, #tpu.memory_space<vmem_shared>> -> memref<128x64xf32, #tpu.memory_space<vmem_shared>>
      %dma_wait3A_197 = arith.constant 0 : i32
      %dma_wait3A_198 = arith.constant 0 : i32
      %dma_wait3A_199 = tpu.memref_slice %arg7[%run_scoped3A_69, %dma_wait3A_197, %dma_wait3A_198] : memref<5x128x64xf32, #tpu.memory_space<vmem>> -> memref<1x128x64xf32, #tpu.memory_space<vmem>>
      %dma_wait3A_200 = tpu.memref_squeeze %dma_wait3A_199 : memref<1x128x64xf32, #tpu.memory_space<vmem>> -> memref<128x64xf32, #tpu.memory_space<vmem>>
      tpu.wait_dma2 semaphore(%run_scoped3A_177 : memref<!tpu.dma_semaphore, #tpu.memory_space<semaphore_mem>>) src(%dma_wait3A_200 : memref<128x64xf32, #tpu.memory_space<vmem>>) dst(%dma_wait3A_196 : memref<128x64xf32, #tpu.memory_space<vmem_shared>>)
      tpu.yield
    }) : () -> ()
    %add3A_70 = arith.constant 512 : i32
    %add3A_71 = arith.addi %mul3A_0, %add3A_70 : i32
    %run_scoped3A_72 = arith.constant 0 : i32
    "tpu.region"() ({
      %run_scoped3A_177 = tpu.sem_alloc : memref<!tpu.dma_semaphore, #tpu.memory_space<semaphore_mem>>
      %dma_start3A = arith.constant 0 : i32
      %dma_start3A_178 = arith.constant 0 : i32
      %dma_start3A_179 = tpu.memref_slice %arg7[%run_scoped3A_72, %dma_start3A, %dma_start3A_178] : memref<5x128x64xf32, #tpu.memory_space<vmem>> -> memref<1x128x64xf32, #tpu.memory_space<vmem>>
      %dma_start3A_180 = tpu.memref_squeeze %dma_start3A_179 : memref<1x128x64xf32, #tpu.memory_space<vmem>> -> memref<128x64xf32, #tpu.memory_space<vmem>>
      %dma_start3A_181 = arith.constant 0 : i32
      %dma_start3A_182 = tpu.memref_slice %arg10[%add3A_71, %dma_start3A_181] : memref<10240x64xf32, #tpu.memory_space<vmem_shared>> -> memref<128x64xf32, #tpu.memory_space<vmem_shared>>
      %dma_start3A_183 = arith.constant 0 : i32
      %dma_start3A_184 = tpu.memref_slice %arg10[%add3A_71, %dma_start3A_183] : memref<10240x64xf32, #tpu.memory_space<vmem_shared>> -> memref<128x64xf32, #tpu.memory_space<vmem_shared>>
      %dma_start3A_185 = arith.constant 0 : i32
      %dma_start3A_186 = arith.constant 0 : i32
      %dma_start3A_187 = tpu.memref_slice %arg7[%run_scoped3A_72, %dma_start3A_185, %dma_start3A_186] : memref<5x128x64xf32, #tpu.memory_space<vmem>> -> memref<1x128x64xf32, #tpu.memory_space<vmem>>
      %dma_start3A_188 = tpu.memref_squeeze %dma_start3A_187 : memref<1x128x64xf32, #tpu.memory_space<vmem>> -> memref<128x64xf32, #tpu.memory_space<vmem>>
      tpu.enqueue_dma source(%dma_start3A_188 : memref<128x64xf32, #tpu.memory_space<vmem>>) target(%dma_start3A_184 : memref<128x64xf32, #tpu.memory_space<vmem_shared>>) target_semaphore(%run_scoped3A_177 : memref<!tpu.dma_semaphore, #tpu.memory_space<semaphore_mem>>)
      %dma_wait3A_189 = arith.constant 0 : i32
      %dma_wait3A_190 = arith.constant 0 : i32
      %dma_wait3A_191 = tpu.memref_slice %arg7[%run_scoped3A_72, %dma_wait3A_189, %dma_wait3A_190] : memref<5x128x64xf32, #tpu.memory_space<vmem>> -> memref<1x128x64xf32, #tpu.memory_space<vmem>>
      %dma_wait3A_192 = tpu.memref_squeeze %dma_wait3A_191 : memref<1x128x64xf32, #tpu.memory_space<vmem>> -> memref<128x64xf32, #tpu.memory_space<vmem>>
      %dma_wait3A_193 = arith.constant 0 : i32
      %dma_wait3A_194 = tpu.memref_slice %arg10[%add3A_71, %dma_wait3A_193] : memref<10240x64xf32, #tpu.memory_space<vmem_shared>> -> memref<128x64xf32, #tpu.memory_space<vmem_shared>>
      %dma_wait3A_195 = arith.constant 0 : i32
      %dma_wait3A_196 = tpu.memref_slice %arg10[%add3A_71, %dma_wait3A_195] : memref<10240x64xf32, #tpu.memory_space<vmem_shared>> -> memref<128x64xf32, #tpu.memory_space<vmem_shared>>
      %dma_wait3A_197 = arith.constant 0 : i32
      %dma_wait3A_198 = arith.constant 0 : i32
      %dma_wait3A_199 = tpu.memref_slice %arg7[%run_scoped3A_72, %dma_wait3A_197, %dma_wait3A_198] : memref<5x128x64xf32, #tpu.memory_space<vmem>> -> memref<1x128x64xf32, #tpu.memory_space<vmem>>
      %dma_wait3A_200 = tpu.memref_squeeze %dma_wait3A_199 : memref<1x128x64xf32, #tpu.memory_space<vmem>> -> memref<128x64xf32, #tpu.memory_space<vmem>>
      tpu.wait_dma2 semaphore(%run_scoped3A_177 : memref<!tpu.dma_semaphore, #tpu.memory_space<semaphore_mem>>) src(%dma_wait3A_200 : memref<128x64xf32, #tpu.memory_space<vmem>>) dst(%dma_wait3A_196 : memref<128x64xf32, #tpu.memory_space<vmem_shared>>)
      tpu.yield
    }) : () -> ()
    "tpu.region"() ({
      %run_scoped3A_177 = tpu.sem_alloc : memref<!tpu.dma_semaphore, #tpu.memory_space<semaphore_mem>>
      %dma_start3A = tpu.memref_slice %arg12[%mul3A_0] : memref<10240xf32, #tpu.memory_space<vmem_shared>> -> memref<640xf32, #tpu.memory_space<vmem_shared>>
      %dma_start3A_178 = tpu.memref_slice %arg12[%mul3A_0] : memref<10240xf32, #tpu.memory_space<vmem_shared>> -> memref<640xf32, #tpu.memory_space<vmem_shared>>
      tpu.enqueue_dma source(%arg9 : memref<640xf32, #tpu.memory_space<vmem>>) target(%dma_start3A_178 : memref<640xf32, #tpu.memory_space<vmem_shared>>) target_semaphore(%run_scoped3A_177 : memref<!tpu.dma_semaphore, #tpu.memory_space<semaphore_mem>>)
      %dma_wait3A_179 = tpu.memref_slice %arg12[%mul3A_0] : memref<10240xf32, #tpu.memory_space<vmem_shared>> -> memref<640xf32, #tpu.memory_space<vmem_shared>>
      %dma_wait3A_180 = tpu.memref_slice %arg12[%mul3A_0] : memref<10240xf32, #tpu.memory_space<vmem_shared>> -> memref<640xf32, #tpu.memory_space<vmem_shared>>
      tpu.wait_dma2 semaphore(%run_scoped3A_177 : memref<!tpu.dma_semaphore, #tpu.memory_space<semaphore_mem>>) src(%arg9 : memref<640xf32, #tpu.memory_space<vmem>>) dst(%dma_wait3A_180 : memref<640xf32, #tpu.memory_space<vmem_shared>>)
      tpu.yield
    }) : () -> ()
    %mul3A_73 = arith.constant 10240 : i32
    %mul3A_74 = arith.muli %arg0, %mul3A_73 : i32
    %add3A_75 = arith.addi %mul3A_74, %mul3A_0 : i32
    "tpu.region"() ({
      %run_scoped3A_177 = tpu.sem_alloc : memref<!tpu.dma_semaphore, #tpu.memory_space<semaphore_mem>>
      %dma_start3A = arith.constant 0 : i32
      %dma_start3A_178 = tpu.memref_slice %arg11[%mul3A_0, %dma_start3A] : memref<10240x64xf32, #tpu.memory_space<vmem_shared>> -> memref<640x64xf32, #tpu.memory_space<vmem_shared>>
      %dma_start3A_179 = arith.constant 0 : i32
      %dma_start3A_180 = tpu.memref_slice %arg2[%add3A_75, %dma_start3A_179] : memref<20480x64xf32, #tpu.memory_space<hbm>> -> memref<640x64xf32, #tpu.memory_space<hbm>>
      tpu.enqueue_dma source(%dma_start3A_180 : memref<640x64xf32, #tpu.memory_space<hbm>>) target(%dma_start3A_178 : memref<640x64xf32, #tpu.memory_space<vmem_shared>>) target_semaphore(%run_scoped3A_177 : memref<!tpu.dma_semaphore, #tpu.memory_space<semaphore_mem>>)
      %dma_wait3A_181 = arith.constant 0 : i32
      %dma_wait3A_182 = tpu.memref_slice %arg11[%mul3A_0, %dma_wait3A_181] : memref<10240x64xf32, #tpu.memory_space<vmem_shared>> -> memref<640x64xf32, #tpu.memory_space<vmem_shared>>
      %dma_wait3A_183 = arith.constant 0 : i32
      %dma_wait3A_184 = tpu.memref_slice %arg2[%add3A_75, %dma_wait3A_183] : memref<20480x64xf32, #tpu.memory_space<hbm>> -> memref<640x64xf32, #tpu.memory_space<hbm>>
      tpu.wait_dma2 semaphore(%run_scoped3A_177 : memref<!tpu.dma_semaphore, #tpu.memory_space<semaphore_mem>>) src(%dma_wait3A_184 : memref<640x64xf32, #tpu.memory_space<hbm>>) dst(%dma_wait3A_182 : memref<640x64xf32, #tpu.memory_space<vmem_shared>>)
      tpu.yield
    }) : () -> ()
    %run_scoped3A_76 = arith.constant 0 : i32
    %run_scoped3A_77 = arith.constant 0 : i32
    "tpu.region"() ({
      %run_scoped3A_177 = tpu.sem_alloc : memref<!tpu.dma_semaphore, #tpu.memory_space<semaphore_mem>>
      %dma_start3A = arith.constant 0 : i32
      %dma_start3A_178 = arith.constant 0 : i32
      %dma_start3A_179 = arith.constant 0 : i32
      %dma_start3A_180 = tpu.memref_slice %arg6[%run_scoped3A_77, %dma_start3A, %dma_start3A_178, %dma_start3A_179] : memref<2x2x5x128xi32, #tpu.memory_space<vmem>> -> memref<1x2x5x128xi32, #tpu.memory_space<vmem>>
      %dma_start3A_181 = tpu.memref_squeeze %dma_start3A_180 : memref<1x2x5x128xi32, #tpu.memory_space<vmem>> -> memref<2x5x128xi32, #tpu.memory_space<vmem>>
      %dma_start3A_182 = arith.constant 0 : i32
      %dma_start3A_183 = arith.constant 0 : i32
      %dma_start3A_184 = arith.constant 0 : i32
      %dma_start3A_185 = tpu.memref_slice %arg3[%arg1, %run_scoped3A_76, %dma_start3A_182, %dma_start3A_183, %dma_start3A_184] : memref<16x32x2x5x128xi32, #tpu.memory_space<hbm>> -> memref<1x1x2x5x128xi32, #tpu.memory_space<hbm>>
      %dma_start3A_186 = tpu.memref_squeeze %dma_start3A_185 : memref<1x1x2x5x128xi32, #tpu.memory_space<hbm>> -> memref<2x5x128xi32, #tpu.memory_space<hbm>>
      %dma_start3A_187 = arith.constant 0 : i32
      %dma_start3A_188 = arith.constant 0 : i32
      %dma_start3A_189 = arith.constant 0 : i32
      %dma_start3A_190 = tpu.memref_slice %arg6[%run_scoped3A_77, %dma_start3A_187, %dma_start3A_188, %dma_start3A_189] : memref<2x2x5x128xi32, #tpu.memory_space<vmem>> -> memref<1x2x5x128xi32, #tpu.memory_space<vmem>>
      %dma_start3A_191 = tpu.memref_squeeze %dma_start3A_190 : memref<1x2x5x128xi32, #tpu.memory_space<vmem>> -> memref<2x5x128xi32, #tpu.memory_space<vmem>>
      %dma_start3A_192 = arith.constant 0 : i32
      %dma_start3A_193 = arith.constant 0 : i32
      %dma_start3A_194 = arith.constant 0 : i32
      %dma_start3A_195 = tpu.memref_slice %arg3[%arg1, %run_scoped3A_76, %dma_start3A_192, %dma_start3A_193, %dma_start3A_194] : memref<16x32x2x5x128xi32, #tpu.memory_space<hbm>> -> memref<1x1x2x5x128xi32, #tpu.memory_space<hbm>>
      %dma_start3A_196 = tpu.memref_squeeze %dma_start3A_195 : memref<1x1x2x5x128xi32, #tpu.memory_space<hbm>> -> memref<2x5x128xi32, #tpu.memory_space<hbm>>
      tpu.enqueue_dma source(%dma_start3A_196 : memref<2x5x128xi32, #tpu.memory_space<hbm>>) target(%dma_start3A_191 : memref<2x5x128xi32, #tpu.memory_space<vmem>>) target_semaphore(%run_scoped3A_177 : memref<!tpu.dma_semaphore, #tpu.memory_space<semaphore_mem>>)
      %dma_wait3A_197 = arith.constant 0 : i32
      %dma_wait3A_198 = arith.constant 0 : i32
      %dma_wait3A_199 = arith.constant 0 : i32
      %dma_wait3A_200 = tpu.memref_slice %arg6[%run_scoped3A_77, %dma_wait3A_197, %dma_wait3A_198, %dma_wait3A_199] : memref<2x2x5x128xi32, #tpu.memory_space<vmem>> -> memref<1x2x5x128xi32, #tpu.memory_space<vmem>>
      %dma_wait3A_201 = tpu.memref_squeeze %dma_wait3A_200 : memref<1x2x5x128xi32, #tpu.memory_space<vmem>> -> memref<2x5x128xi32, #tpu.memory_space<vmem>>
      %dma_wait3A_202 = arith.constant 0 : i32
      %dma_wait3A_203 = arith.constant 0 : i32
      %dma_wait3A_204 = arith.constant 0 : i32
      %dma_wait3A_205 = tpu.memref_slice %arg3[%arg1, %run_scoped3A_76, %dma_wait3A_202, %dma_wait3A_203, %dma_wait3A_204] : memref<16x32x2x5x128xi32, #tpu.memory_space<hbm>> -> memref<1x1x2x5x128xi32, #tpu.memory_space<hbm>>
      %dma_wait3A_206 = tpu.memref_squeeze %dma_wait3A_205 : memref<1x1x2x5x128xi32, #tpu.memory_space<hbm>> -> memref<2x5x128xi32, #tpu.memory_space<hbm>>
      %dma_wait3A_207 = arith.constant 0 : i32
      %dma_wait3A_208 = arith.constant 0 : i32
      %dma_wait3A_209 = arith.constant 0 : i32
      %dma_wait3A_210 = tpu.memref_slice %arg6[%run_scoped3A_77, %dma_wait3A_207, %dma_wait3A_208, %dma_wait3A_209] : memref<2x2x5x128xi32, #tpu.memory_space<vmem>> -> memref<1x2x5x128xi32, #tpu.memory_space<vmem>>
      %dma_wait3A_211 = tpu.memref_squeeze %dma_wait3A_210 : memref<1x2x5x128xi32, #tpu.memory_space<vmem>> -> memref<2x5x128xi32, #tpu.memory_space<vmem>>
      %dma_wait3A_212 = arith.constant 0 : i32
      %dma_wait3A_213 = arith.constant 0 : i32
      %dma_wait3A_214 = arith.constant 0 : i32
      %dma_wait3A_215 = tpu.memref_slice %arg3[%arg1, %run_scoped3A_76, %dma_wait3A_212, %dma_wait3A_213, %dma_wait3A_214] : memref<16x32x2x5x128xi32, #tpu.memory_space<hbm>> -> memref<1x1x2x5x128xi32, #tpu.memory_space<hbm>>
      %dma_wait3A_216 = tpu.memref_squeeze %dma_wait3A_215 : memref<1x1x2x5x128xi32, #tpu.memory_space<hbm>> -> memref<2x5x128xi32, #tpu.memory_space<hbm>>
      tpu.wait_dma2 semaphore(%run_scoped3A_177 : memref<!tpu.dma_semaphore, #tpu.memory_space<semaphore_mem>>) src(%dma_wait3A_216 : memref<2x5x128xi32, #tpu.memory_space<hbm>>) dst(%dma_wait3A_211 : memref<2x5x128xi32, #tpu.memory_space<vmem>>)
      tpu.yield
    }) : () -> ()
    %barrier3A = arith.constant 0 : index
    tpu.barrier barrier_id(%barrier3A)
    %scan3A_78 = arith.constant 0 : i32
    %scan3A_79 = arith.constant 0 : i32
    %scan3A_80 = arith.constant 32 : i32
    %scan3A_81 = arith.addi %scan3A_79, %scan3A_80 : i32
    %scan3A_82 = arith.constant 1 : i32
    %scan3A_83 = scf.for %scan3A_177 = %scan3A_79 to %scan3A_81 step %scan3A_82 iter_args(%scan3A_178 = %scan3A_78) -> (i32)  : i32 {
      %rem3A = arith.constant 2 : i32
      %rem3A_179 = arith.remsi %scan3A_177, %rem3A : i32
      %gt3A = arith.constant 0 : i32
      %gt3A_180 = arith.cmpi sgt, %scan3A_177, %gt3A : i32
      %convert_element_type3A_181 = arith.extui %gt3A_180 : i1 to i32
      %cond3A_182 = arith.constant 0 : i32
      %cond3A_183 = arith.cmpi ne, %convert_element_type3A_181, %cond3A_182 : i32
      scf.if %cond3A_183 {
        %dma_wait3A_435 = arith.constant 0 : i32
        %dma_wait3A_436 = arith.constant 0 : i32
        %dma_wait3A_437 = arith.constant 0 : i32
        %dma_wait3A_438 = tpu.memref_slice %arg6[%rem3A_179, %dma_wait3A_435, %dma_wait3A_436, %dma_wait3A_437] : memref<2x2x5x128xi32, #tpu.memory_space<vmem>> -> memref<1x2x5x128xi32, #tpu.memory_space<vmem>>
        %dma_wait3A_439 = tpu.memref_squeeze %dma_wait3A_438 : memref<1x2x5x128xi32, #tpu.memory_space<vmem>> -> memref<2x5x128xi32, #tpu.memory_space<vmem>>
        %dma_wait3A_440 = arith.constant 0 : i32
        %dma_wait3A_441 = arith.constant 0 : i32
        %dma_wait3A_442 = arith.constant 0 : i32
        %dma_wait3A_443 = tpu.memref_slice %arg3[%arg1, %scan3A_177, %dma_wait3A_440, %dma_wait3A_441, %dma_wait3A_442] : memref<16x32x2x5x128xi32, #tpu.memory_space<hbm>> -> memref<1x1x2x5x128xi32, #tpu.memory_space<hbm>>
        %dma_wait3A_444 = tpu.memref_squeeze %dma_wait3A_443 : memref<1x1x2x5x128xi32, #tpu.memory_space<hbm>> -> memref<2x5x128xi32, #tpu.memory_space<hbm>>
        %dma_wait3A_445 = arith.constant 0 : i32
        %dma_wait3A_446 = arith.constant 0 : i32
        %dma_wait3A_447 = arith.constant 0 : i32
        %dma_wait3A_448 = tpu.memref_slice %arg6[%rem3A_179, %dma_wait3A_445, %dma_wait3A_446, %dma_wait3A_447] : memref<2x2x5x128xi32, #tpu.memory_space<vmem>> -> memref<1x2x5x128xi32, #tpu.memory_space<vmem>>
        %dma_wait3A_449 = tpu.memref_squeeze %dma_wait3A_448 : memref<1x2x5x128xi32, #tpu.memory_space<vmem>> -> memref<2x5x128xi32, #tpu.memory_space<vmem>>
        %dma_wait3A_450 = arith.constant 0 : i32
        %dma_wait3A_451 = arith.constant 0 : i32
        %dma_wait3A_452 = arith.constant 0 : i32
        %dma_wait3A_453 = tpu.memref_slice %arg3[%arg1, %scan3A_177, %dma_wait3A_450, %dma_wait3A_451, %dma_wait3A_452] : memref<16x32x2x5x128xi32, #tpu.memory_space<hbm>> -> memref<1x1x2x5x128xi32, #tpu.memory_space<hbm>>
        %dma_wait3A_454 = tpu.memref_squeeze %dma_wait3A_453 : memref<1x1x2x5x128xi32, #tpu.memory_space<hbm>> -> memref<2x5x128xi32, #tpu.memory_space<hbm>>
        tpu.wait_dma2 semaphore(%arg23 : memref<!tpu.dma_semaphore, #tpu.memory_space<semaphore_mem>>) src(%dma_wait3A_454 : memref<2x5x128xi32, #tpu.memory_space<hbm>>) dst(%dma_wait3A_449 : memref<2x5x128xi32, #tpu.memory_space<vmem>>)
      } else {
      }
      %gt3A_184 = arith.constant 0 : i32
      %gt3A_185 = arith.cmpi sgt, %scan3A_177, %gt3A_184 : i32
      %convert_element_type3A_186 = arith.extui %gt3A_185 : i1 to i32
      %cond3A_187 = arith.constant 0 : i32
      %cond3A_188 = arith.cmpi ne, %convert_element_type3A_186, %cond3A_187 : i32
      scf.if %cond3A_188 {
        %dma_wait3A_435 = arith.constant 0 : i32
        %dma_wait3A_436 = arith.constant 1 : i32
        %dma_wait3A_437 = arith.constant 0 : i32
        %dma_wait3A_438 = arith.constant 0 : i32
        %dma_wait3A_439 = arith.constant 0 : i32
        %dma_wait3A_440 = tpu.memref_slice %arg7[%dma_wait3A_435, %dma_wait3A_438, %dma_wait3A_439] : memref<5x128x64xf32, #tpu.memory_space<vmem>> -> memref<1x128x64xf32, #tpu.memory_space<vmem>>
        %dma_wait3A_441 = tpu.memref_squeeze %dma_wait3A_440 : memref<1x128x64xf32, #tpu.memory_space<vmem>> -> memref<128x64xf32, #tpu.memory_space<vmem>>
        %dma_wait3A_442 = arith.constant 0 : i32
        %dma_wait3A_443 = tpu.memref_slice %arg6[%rem3A_179, %dma_wait3A_436, %dma_wait3A_437, %dma_wait3A_442] : memref<2x2x5x128xi32, #tpu.memory_space<vmem>> -> memref<1x1x1x128xi32, #tpu.memory_space<vmem>>
        %dma_wait3A_444 = tpu.memref_squeeze %dma_wait3A_443 : memref<1x1x1x128xi32, #tpu.memory_space<vmem>> -> memref<128xi32, #tpu.memory_space<vmem>>
        %dma_wait3A_445 = arith.constant 0 : i32
        %dma_wait3A_446 = arith.constant 0 : i32
        %dma_wait3A_447 = tpu.memref_slice %arg10[%dma_wait3A_445, %dma_wait3A_446] : memref<10240x64xf32, #tpu.memory_space<vmem_shared>> -> memref<10240x64xf32, #tpu.memory_space<vmem_shared>>
        tpu.wait_indirect_dma semaphore(%arg18 : memref<!tpu.dma_semaphore, #tpu.memory_space<semaphore_mem>>) src(%dma_wait3A_441 : memref<128x64xf32, #tpu.memory_space<vmem>>) dst(%dma_wait3A_447 : memref<10240x64xf32, #tpu.memory_space<vmem_shared>>)
        %eq3A_448 = arith.constant 0 : i32
        %eq3A_449 = arith.cmpi eq, %arg0, %eq3A_448 : i32
        %convert_element_type3A_450 = arith.extui %eq3A_449 : i1 to i32
        %cond3A_451 = arith.constant 0 : i32
        %cond3A_452 = arith.cmpi ne, %convert_element_type3A_450, %cond3A_451 : i32
        scf.if %cond3A_452 {
          %dma_wait3A_453 = arith.constant 1 : i32
          %dma_wait3A_454 = arith.constant 0 : i32
          %dma_wait3A_455 = arith.constant 0 : i32
          %dma_wait3A_456 = tpu.memref_slice %arg6[%rem3A_179, %dma_wait3A_453, %dma_wait3A_454, %dma_wait3A_455] : memref<2x2x5x128xi32, #tpu.memory_space<vmem>> -> memref<1x1x1x128xi32, #tpu.memory_space<vmem>>
          %dma_wait3A_457 = tpu.memref_squeeze %dma_wait3A_456 : memref<1x1x1x128xi32, #tpu.memory_space<vmem>> -> memref<128xi32, #tpu.memory_space<vmem>>
          %dma_wait3A_458 = arith.constant 0 : i32
          %dma_wait3A_459 = tpu.memref_slice %arg12[%dma_wait3A_458] : memref<10240xf32, #tpu.memory_space<vmem_shared>> -> memref<10240xf32, #tpu.memory_space<vmem_shared>>
          tpu.wait_indirect_dma semaphore(%arg18 : memref<!tpu.dma_semaphore, #tpu.memory_space<semaphore_mem>>) src(%arg8 : memref<128xf32, #tpu.memory_space<vmem>>) dst(%dma_wait3A_459 : memref<10240xf32, #tpu.memory_space<vmem_shared>>)
        } else {
        }
      } else {
      }
      %dma_start3A = arith.constant 0 : i32
      %dma_start3A_189 = arith.constant 0 : i32
      %dma_start3A_190 = arith.constant 0 : i32
      %dma_start3A_191 = arith.constant 0 : i32
      %dma_start3A_192 = arith.constant 0 : i32
      %dma_start3A_193 = tpu.memref_slice %arg7[%dma_start3A_190, %dma_start3A_191, %dma_start3A_192] : memref<5x128x64xf32, #tpu.memory_space<vmem>> -> memref<1x128x64xf32, #tpu.memory_space<vmem>>
      %dma_start3A_194 = tpu.memref_squeeze %dma_start3A_193 : memref<1x128x64xf32, #tpu.memory_space<vmem>> -> memref<128x64xf32, #tpu.memory_space<vmem>>
      %dma_start3A_195 = arith.constant 0 : i32
      %dma_start3A_196 = tpu.memref_slice %arg6[%rem3A_179, %dma_start3A, %dma_start3A_189, %dma_start3A_195] : memref<2x2x5x128xi32, #tpu.memory_space<vmem>> -> memref<1x1x1x128xi32, #tpu.memory_space<vmem>>
      %dma_start3A_197 = tpu.memref_squeeze %dma_start3A_196 : memref<1x1x1x128xi32, #tpu.memory_space<vmem>> -> memref<128xi32, #tpu.memory_space<vmem>>
      %dma_start3A_198 = arith.constant 0 : i32
      %dma_start3A_199 = arith.constant 0 : i32
      %dma_start3A_200 = tpu.memref_slice %arg11[%dma_start3A_198, %dma_start3A_199] : memref<10240x64xf32, #tpu.memory_space<vmem_shared>> -> memref<10240x64xf32, #tpu.memory_space<vmem_shared>>
      tpu.enqueue_indirect_dma source(%dma_start3A_200 : memref<10240x64xf32, #tpu.memory_space<vmem_shared>>) target(%dma_start3A_194 : memref<128x64xf32, #tpu.memory_space<vmem>>) offsets(%dma_start3A_197 : memref<128xi32, #tpu.memory_space<vmem>>) semaphore(%arg13 : memref<!tpu.dma_semaphore, #tpu.memory_space<semaphore_mem>>)
      %gt3A_201 = arith.constant 0 : i32
      %gt3A_202 = arith.cmpi sgt, %scan3A_177, %gt3A_201 : i32
      %convert_element_type3A_203 = arith.extui %gt3A_202 : i1 to i32
      %cond3A_204 = arith.constant 0 : i32
      %cond3A_205 = arith.cmpi ne, %convert_element_type3A_203, %cond3A_204 : i32
      scf.if %cond3A_205 {
        %dma_wait3A_435 = arith.constant 1 : i32
        %dma_wait3A_436 = arith.constant 1 : i32
        %dma_wait3A_437 = arith.constant 1 : i32
        %dma_wait3A_438 = arith.constant 0 : i32
        %dma_wait3A_439 = arith.constant 0 : i32
        %dma_wait3A_440 = tpu.memref_slice %arg7[%dma_wait3A_435, %dma_wait3A_438, %dma_wait3A_439] : memref<5x128x64xf32, #tpu.memory_space<vmem>> -> memref<1x128x64xf32, #tpu.memory_space<vmem>>
        %dma_wait3A_441 = tpu.memref_squeeze %dma_wait3A_440 : memref<1x128x64xf32, #tpu.memory_space<vmem>> -> memref<128x64xf32, #tpu.memory_space<vmem>>
        %dma_wait3A_442 = arith.constant 0 : i32
        %dma_wait3A_443 = tpu.memref_slice %arg6[%rem3A_179, %dma_wait3A_436, %dma_wait3A_437, %dma_wait3A_442] : memref<2x2x5x128xi32, #tpu.memory_space<vmem>> -> memref<1x1x1x128xi32, #tpu.memory_space<vmem>>
        %dma_wait3A_444 = tpu.memref_squeeze %dma_wait3A_443 : memref<1x1x1x128xi32, #tpu.memory_space<vmem>> -> memref<128xi32, #tpu.memory_space<vmem>>
        %dma_wait3A_445 = arith.constant 0 : i32
        %dma_wait3A_446 = arith.constant 0 : i32
        %dma_wait3A_447 = tpu.memref_slice %arg10[%dma_wait3A_445, %dma_wait3A_446] : memref<10240x64xf32, #tpu.memory_space<vmem_shared>> -> memref<10240x64xf32, #tpu.memory_space<vmem_shared>>
        tpu.wait_indirect_dma semaphore(%arg19 : memref<!tpu.dma_semaphore, #tpu.memory_space<semaphore_mem>>) src(%dma_wait3A_441 : memref<128x64xf32, #tpu.memory_space<vmem>>) dst(%dma_wait3A_447 : memref<10240x64xf32, #tpu.memory_space<vmem_shared>>)
        %eq3A_448 = arith.constant 1 : i32
        %eq3A_449 = arith.cmpi eq, %arg0, %eq3A_448 : i32
        %convert_element_type3A_450 = arith.extui %eq3A_449 : i1 to i32
        %cond3A_451 = arith.constant 0 : i32
        %cond3A_452 = arith.cmpi ne, %convert_element_type3A_450, %cond3A_451 : i32
        scf.if %cond3A_452 {
          %dma_wait3A_453 = arith.constant 1 : i32
          %dma_wait3A_454 = arith.constant 1 : i32
          %dma_wait3A_455 = arith.constant 0 : i32
          %dma_wait3A_456 = tpu.memref_slice %arg6[%rem3A_179, %dma_wait3A_453, %dma_wait3A_454, %dma_wait3A_455] : memref<2x2x5x128xi32, #tpu.memory_space<vmem>> -> memref<1x1x1x128xi32, #tpu.memory_space<vmem>>
          %dma_wait3A_457 = tpu.memref_squeeze %dma_wait3A_456 : memref<1x1x1x128xi32, #tpu.memory_space<vmem>> -> memref<128xi32, #tpu.memory_space<vmem>>
          %dma_wait3A_458 = arith.constant 0 : i32
          %dma_wait3A_459 = tpu.memref_slice %arg12[%dma_wait3A_458] : memref<10240xf32, #tpu.memory_space<vmem_shared>> -> memref<10240xf32, #tpu.memory_space<vmem_shared>>
          tpu.wait_indirect_dma semaphore(%arg19 : memref<!tpu.dma_semaphore, #tpu.memory_space<semaphore_mem>>) src(%arg8 : memref<128xf32, #tpu.memory_space<vmem>>) dst(%dma_wait3A_459 : memref<10240xf32, #tpu.memory_space<vmem_shared>>)
        } else {
        }
      } else {
      }
      %dma_start3A_206 = arith.constant 0 : i32
      %dma_start3A_207 = arith.constant 1 : i32
      %dma_start3A_208 = arith.constant 1 : i32
      %dma_start3A_209 = arith.constant 0 : i32
      %dma_start3A_210 = arith.constant 0 : i32
      %dma_start3A_211 = tpu.memref_slice %arg7[%dma_start3A_208, %dma_start3A_209, %dma_start3A_210] : memref<5x128x64xf32, #tpu.memory_space<vmem>> -> memref<1x128x64xf32, #tpu.memory_space<vmem>>
      %dma_start3A_212 = tpu.memref_squeeze %dma_start3A_211 : memref<1x128x64xf32, #tpu.memory_space<vmem>> -> memref<128x64xf32, #tpu.memory_space<vmem>>
      %dma_start3A_213 = arith.constant 0 : i32
      %dma_start3A_214 = tpu.memref_slice %arg6[%rem3A_179, %dma_start3A_206, %dma_start3A_207, %dma_start3A_213] : memref<2x2x5x128xi32, #tpu.memory_space<vmem>> -> memref<1x1x1x128xi32, #tpu.memory_space<vmem>>
      %dma_start3A_215 = tpu.memref_squeeze %dma_start3A_214 : memref<1x1x1x128xi32, #tpu.memory_space<vmem>> -> memref<128xi32, #tpu.memory_space<vmem>>
      %dma_start3A_216 = arith.constant 0 : i32
      %dma_start3A_217 = arith.constant 0 : i32
      %dma_start3A_218 = tpu.memref_slice %arg11[%dma_start3A_216, %dma_start3A_217] : memref<10240x64xf32, #tpu.memory_space<vmem_shared>> -> memref<10240x64xf32, #tpu.memory_space<vmem_shared>>
      tpu.enqueue_indirect_dma source(%dma_start3A_218 : memref<10240x64xf32, #tpu.memory_space<vmem_shared>>) target(%dma_start3A_212 : memref<128x64xf32, #tpu.memory_space<vmem>>) offsets(%dma_start3A_215 : memref<128xi32, #tpu.memory_space<vmem>>) semaphore(%arg14 : memref<!tpu.dma_semaphore, #tpu.memory_space<semaphore_mem>>)
      %gt3A_219 = arith.constant 0 : i32
      %gt3A_220 = arith.cmpi sgt, %scan3A_177, %gt3A_219 : i32
      %convert_element_type3A_221 = arith.extui %gt3A_220 : i1 to i32
      %cond3A_222 = arith.constant 0 : i32
      %cond3A_223 = arith.cmpi ne, %convert_element_type3A_221, %cond3A_222 : i32
      scf.if %cond3A_223 {
        %dma_wait3A_435 = arith.constant 2 : i32
        %dma_wait3A_436 = arith.constant 1 : i32
        %dma_wait3A_437 = arith.constant 2 : i32
        %dma_wait3A_438 = arith.constant 0 : i32
        %dma_wait3A_439 = arith.constant 0 : i32
        %dma_wait3A_440 = tpu.memref_slice %arg7[%dma_wait3A_435, %dma_wait3A_438, %dma_wait3A_439] : memref<5x128x64xf32, #tpu.memory_space<vmem>> -> memref<1x128x64xf32, #tpu.memory_space<vmem>>
        %dma_wait3A_441 = tpu.memref_squeeze %dma_wait3A_440 : memref<1x128x64xf32, #tpu.memory_space<vmem>> -> memref<128x64xf32, #tpu.memory_space<vmem>>
        %dma_wait3A_442 = arith.constant 0 : i32
        %dma_wait3A_443 = tpu.memref_slice %arg6[%rem3A_179, %dma_wait3A_436, %dma_wait3A_437, %dma_wait3A_442] : memref<2x2x5x128xi32, #tpu.memory_space<vmem>> -> memref<1x1x1x128xi32, #tpu.memory_space<vmem>>
        %dma_wait3A_444 = tpu.memref_squeeze %dma_wait3A_443 : memref<1x1x1x128xi32, #tpu.memory_space<vmem>> -> memref<128xi32, #tpu.memory_space<vmem>>
        %dma_wait3A_445 = arith.constant 0 : i32
        %dma_wait3A_446 = arith.constant 0 : i32
        %dma_wait3A_447 = tpu.memref_slice %arg10[%dma_wait3A_445, %dma_wait3A_446] : memref<10240x64xf32, #tpu.memory_space<vmem_shared>> -> memref<10240x64xf32, #tpu.memory_space<vmem_shared>>
        tpu.wait_indirect_dma semaphore(%arg20 : memref<!tpu.dma_semaphore, #tpu.memory_space<semaphore_mem>>) src(%dma_wait3A_441 : memref<128x64xf32, #tpu.memory_space<vmem>>) dst(%dma_wait3A_447 : memref<10240x64xf32, #tpu.memory_space<vmem_shared>>)
        %eq3A_448 = arith.constant 0 : i32
        %eq3A_449 = arith.cmpi eq, %arg0, %eq3A_448 : i32
        %convert_element_type3A_450 = arith.extui %eq3A_449 : i1 to i32
        %cond3A_451 = arith.constant 0 : i32
        %cond3A_452 = arith.cmpi ne, %convert_element_type3A_450, %cond3A_451 : i32
        scf.if %cond3A_452 {
          %dma_wait3A_453 = arith.constant 1 : i32
          %dma_wait3A_454 = arith.constant 2 : i32
          %dma_wait3A_455 = arith.constant 0 : i32
          %dma_wait3A_456 = tpu.memref_slice %arg6[%rem3A_179, %dma_wait3A_453, %dma_wait3A_454, %dma_wait3A_455] : memref<2x2x5x128xi32, #tpu.memory_space<vmem>> -> memref<1x1x1x128xi32, #tpu.memory_space<vmem>>
          %dma_wait3A_457 = tpu.memref_squeeze %dma_wait3A_456 : memref<1x1x1x128xi32, #tpu.memory_space<vmem>> -> memref<128xi32, #tpu.memory_space<vmem>>
          %dma_wait3A_458 = arith.constant 0 : i32
          %dma_wait3A_459 = tpu.memref_slice %arg12[%dma_wait3A_458] : memref<10240xf32, #tpu.memory_space<vmem_shared>> -> memref<10240xf32, #tpu.memory_space<vmem_shared>>
          tpu.wait_indirect_dma semaphore(%arg20 : memref<!tpu.dma_semaphore, #tpu.memory_space<semaphore_mem>>) src(%arg8 : memref<128xf32, #tpu.memory_space<vmem>>) dst(%dma_wait3A_459 : memref<10240xf32, #tpu.memory_space<vmem_shared>>)
        } else {
        }
      } else {
      }
      %dma_start3A_224 = arith.constant 0 : i32
      %dma_start3A_225 = arith.constant 2 : i32
      %dma_start3A_226 = arith.constant 2 : i32
      %dma_start3A_227 = arith.constant 0 : i32
      %dma_start3A_228 = arith.constant 0 : i32
      %dma_start3A_229 = tpu.memref_slice %arg7[%dma_start3A_226, %dma_start3A_227, %dma_start3A_228] : memref<5x128x64xf32, #tpu.memory_space<vmem>> -> memref<1x128x64xf32, #tpu.memory_space<vmem>>
      %dma_start3A_230 = tpu.memref_squeeze %dma_start3A_229 : memref<1x128x64xf32, #tpu.memory_space<vmem>> -> memref<128x64xf32, #tpu.memory_space<vmem>>
      %dma_start3A_231 = arith.constant 0 : i32
      %dma_start3A_232 = tpu.memref_slice %arg6[%rem3A_179, %dma_start3A_224, %dma_start3A_225, %dma_start3A_231] : memref<2x2x5x128xi32, #tpu.memory_space<vmem>> -> memref<1x1x1x128xi32, #tpu.memory_space<vmem>>
      %dma_start3A_233 = tpu.memref_squeeze %dma_start3A_232 : memref<1x1x1x128xi32, #tpu.memory_space<vmem>> -> memref<128xi32, #tpu.memory_space<vmem>>
      %dma_start3A_234 = arith.constant 0 : i32
      %dma_start3A_235 = arith.constant 0 : i32
      %dma_start3A_236 = tpu.memref_slice %arg11[%dma_start3A_234, %dma_start3A_235] : memref<10240x64xf32, #tpu.memory_space<vmem_shared>> -> memref<10240x64xf32, #tpu.memory_space<vmem_shared>>
      tpu.enqueue_indirect_dma source(%dma_start3A_236 : memref<10240x64xf32, #tpu.memory_space<vmem_shared>>) target(%dma_start3A_230 : memref<128x64xf32, #tpu.memory_space<vmem>>) offsets(%dma_start3A_233 : memref<128xi32, #tpu.memory_space<vmem>>) semaphore(%arg15 : memref<!tpu.dma_semaphore, #tpu.memory_space<semaphore_mem>>)
      %gt3A_237 = arith.constant 0 : i32
      %gt3A_238 = arith.cmpi sgt, %scan3A_177, %gt3A_237 : i32
      %convert_element_type3A_239 = arith.extui %gt3A_238 : i1 to i32
      %cond3A_240 = arith.constant 0 : i32
      %cond3A_241 = arith.cmpi ne, %convert_element_type3A_239, %cond3A_240 : i32
      scf.if %cond3A_241 {
        %dma_wait3A_435 = arith.constant 3 : i32
        %dma_wait3A_436 = arith.constant 1 : i32
        %dma_wait3A_437 = arith.constant 3 : i32
        %dma_wait3A_438 = arith.constant 0 : i32
        %dma_wait3A_439 = arith.constant 0 : i32
        %dma_wait3A_440 = tpu.memref_slice %arg7[%dma_wait3A_435, %dma_wait3A_438, %dma_wait3A_439] : memref<5x128x64xf32, #tpu.memory_space<vmem>> -> memref<1x128x64xf32, #tpu.memory_space<vmem>>
        %dma_wait3A_441 = tpu.memref_squeeze %dma_wait3A_440 : memref<1x128x64xf32, #tpu.memory_space<vmem>> -> memref<128x64xf32, #tpu.memory_space<vmem>>
        %dma_wait3A_442 = arith.constant 0 : i32
        %dma_wait3A_443 = tpu.memref_slice %arg6[%rem3A_179, %dma_wait3A_436, %dma_wait3A_437, %dma_wait3A_442] : memref<2x2x5x128xi32, #tpu.memory_space<vmem>> -> memref<1x1x1x128xi32, #tpu.memory_space<vmem>>
        %dma_wait3A_444 = tpu.memref_squeeze %dma_wait3A_443 : memref<1x1x1x128xi32, #tpu.memory_space<vmem>> -> memref<128xi32, #tpu.memory_space<vmem>>
        %dma_wait3A_445 = arith.constant 0 : i32
        %dma_wait3A_446 = arith.constant 0 : i32
        %dma_wait3A_447 = tpu.memref_slice %arg10[%dma_wait3A_445, %dma_wait3A_446] : memref<10240x64xf32, #tpu.memory_space<vmem_shared>> -> memref<10240x64xf32, #tpu.memory_space<vmem_shared>>
        tpu.wait_indirect_dma semaphore(%arg21 : memref<!tpu.dma_semaphore, #tpu.memory_space<semaphore_mem>>) src(%dma_wait3A_441 : memref<128x64xf32, #tpu.memory_space<vmem>>) dst(%dma_wait3A_447 : memref<10240x64xf32, #tpu.memory_space<vmem_shared>>)
        %eq3A_448 = arith.constant 1 : i32
        %eq3A_449 = arith.cmpi eq, %arg0, %eq3A_448 : i32
        %convert_element_type3A_450 = arith.extui %eq3A_449 : i1 to i32
        %cond3A_451 = arith.constant 0 : i32
        %cond3A_452 = arith.cmpi ne, %convert_element_type3A_450, %cond3A_451 : i32
        scf.if %cond3A_452 {
          %dma_wait3A_453 = arith.constant 1 : i32
          %dma_wait3A_454 = arith.constant 3 : i32
          %dma_wait3A_455 = arith.constant 0 : i32
          %dma_wait3A_456 = tpu.memref_slice %arg6[%rem3A_179, %dma_wait3A_453, %dma_wait3A_454, %dma_wait3A_455] : memref<2x2x5x128xi32, #tpu.memory_space<vmem>> -> memref<1x1x1x128xi32, #tpu.memory_space<vmem>>
          %dma_wait3A_457 = tpu.memref_squeeze %dma_wait3A_456 : memref<1x1x1x128xi32, #tpu.memory_space<vmem>> -> memref<128xi32, #tpu.memory_space<vmem>>
          %dma_wait3A_458 = arith.constant 0 : i32
          %dma_wait3A_459 = tpu.memref_slice %arg12[%dma_wait3A_458] : memref<10240xf32, #tpu.memory_space<vmem_shared>> -> memref<10240xf32, #tpu.memory_space<vmem_shared>>
          tpu.wait_indirect_dma semaphore(%arg21 : memref<!tpu.dma_semaphore, #tpu.memory_space<semaphore_mem>>) src(%arg8 : memref<128xf32, #tpu.memory_space<vmem>>) dst(%dma_wait3A_459 : memref<10240xf32, #tpu.memory_space<vmem_shared>>)
        } else {
        }
      } else {
      }
      %dma_start3A_242 = arith.constant 0 : i32
      %dma_start3A_243 = arith.constant 3 : i32
      %dma_start3A_244 = arith.constant 3 : i32
      %dma_start3A_245 = arith.constant 0 : i32
      %dma_start3A_246 = arith.constant 0 : i32
      %dma_start3A_247 = tpu.memref_slice %arg7[%dma_start3A_244, %dma_start3A_245, %dma_start3A_246] : memref<5x128x64xf32, #tpu.memory_space<vmem>> -> memref<1x128x64xf32, #tpu.memory_space<vmem>>
      %dma_start3A_248 = tpu.memref_squeeze %dma_start3A_247 : memref<1x128x64xf32, #tpu.memory_space<vmem>> -> memref<128x64xf32, #tpu.memory_space<vmem>>
      %dma_start3A_249 = arith.constant 0 : i32
      %dma_start3A_250 = tpu.memref_slice %arg6[%rem3A_179, %dma_start3A_242, %dma_start3A_243, %dma_start3A_249] : memref<2x2x5x128xi32, #tpu.memory_space<vmem>> -> memref<1x1x1x128xi32, #tpu.memory_space<vmem>>
      %dma_start3A_251 = tpu.memref_squeeze %dma_start3A_250 : memref<1x1x1x128xi32, #tpu.memory_space<vmem>> -> memref<128xi32, #tpu.memory_space<vmem>>
      %dma_start3A_252 = arith.constant 0 : i32
      %dma_start3A_253 = arith.constant 0 : i32
      %dma_start3A_254 = tpu.memref_slice %arg11[%dma_start3A_252, %dma_start3A_253] : memref<10240x64xf32, #tpu.memory_space<vmem_shared>> -> memref<10240x64xf32, #tpu.memory_space<vmem_shared>>
      tpu.enqueue_indirect_dma source(%dma_start3A_254 : memref<10240x64xf32, #tpu.memory_space<vmem_shared>>) target(%dma_start3A_248 : memref<128x64xf32, #tpu.memory_space<vmem>>) offsets(%dma_start3A_251 : memref<128xi32, #tpu.memory_space<vmem>>) semaphore(%arg16 : memref<!tpu.dma_semaphore, #tpu.memory_space<semaphore_mem>>)
      %gt3A_255 = arith.constant 0 : i32
      %gt3A_256 = arith.cmpi sgt, %scan3A_177, %gt3A_255 : i32
      %convert_element_type3A_257 = arith.extui %gt3A_256 : i1 to i32
      %cond3A_258 = arith.constant 0 : i32
      %cond3A_259 = arith.cmpi ne, %convert_element_type3A_257, %cond3A_258 : i32
      scf.if %cond3A_259 {
        %dma_wait3A_435 = arith.constant 4 : i32
        %dma_wait3A_436 = arith.constant 1 : i32
        %dma_wait3A_437 = arith.constant 4 : i32
        %dma_wait3A_438 = arith.constant 0 : i32
        %dma_wait3A_439 = arith.constant 0 : i32
        %dma_wait3A_440 = tpu.memref_slice %arg7[%dma_wait3A_435, %dma_wait3A_438, %dma_wait3A_439] : memref<5x128x64xf32, #tpu.memory_space<vmem>> -> memref<1x128x64xf32, #tpu.memory_space<vmem>>
        %dma_wait3A_441 = tpu.memref_squeeze %dma_wait3A_440 : memref<1x128x64xf32, #tpu.memory_space<vmem>> -> memref<128x64xf32, #tpu.memory_space<vmem>>
        %dma_wait3A_442 = arith.constant 0 : i32
        %dma_wait3A_443 = tpu.memref_slice %arg6[%rem3A_179, %dma_wait3A_436, %dma_wait3A_437, %dma_wait3A_442] : memref<2x2x5x128xi32, #tpu.memory_space<vmem>> -> memref<1x1x1x128xi32, #tpu.memory_space<vmem>>
        %dma_wait3A_444 = tpu.memref_squeeze %dma_wait3A_443 : memref<1x1x1x128xi32, #tpu.memory_space<vmem>> -> memref<128xi32, #tpu.memory_space<vmem>>
        %dma_wait3A_445 = arith.constant 0 : i32
        %dma_wait3A_446 = arith.constant 0 : i32
        %dma_wait3A_447 = tpu.memref_slice %arg10[%dma_wait3A_445, %dma_wait3A_446] : memref<10240x64xf32, #tpu.memory_space<vmem_shared>> -> memref<10240x64xf32, #tpu.memory_space<vmem_shared>>
        tpu.wait_indirect_dma semaphore(%arg22 : memref<!tpu.dma_semaphore, #tpu.memory_space<semaphore_mem>>) src(%dma_wait3A_441 : memref<128x64xf32, #tpu.memory_space<vmem>>) dst(%dma_wait3A_447 : memref<10240x64xf32, #tpu.memory_space<vmem_shared>>)
        %eq3A_448 = arith.constant 0 : i32
        %eq3A_449 = arith.cmpi eq, %arg0, %eq3A_448 : i32
        %convert_element_type3A_450 = arith.extui %eq3A_449 : i1 to i32
        %cond3A_451 = arith.constant 0 : i32
        %cond3A_452 = arith.cmpi ne, %convert_element_type3A_450, %cond3A_451 : i32
        scf.if %cond3A_452 {
          %dma_wait3A_453 = arith.constant 1 : i32
          %dma_wait3A_454 = arith.constant 4 : i32
          %dma_wait3A_455 = arith.constant 0 : i32
          %dma_wait3A_456 = tpu.memref_slice %arg6[%rem3A_179, %dma_wait3A_453, %dma_wait3A_454, %dma_wait3A_455] : memref<2x2x5x128xi32, #tpu.memory_space<vmem>> -> memref<1x1x1x128xi32, #tpu.memory_space<vmem>>
          %dma_wait3A_457 = tpu.memref_squeeze %dma_wait3A_456 : memref<1x1x1x128xi32, #tpu.memory_space<vmem>> -> memref<128xi32, #tpu.memory_space<vmem>>
          %dma_wait3A_458 = arith.constant 0 : i32
          %dma_wait3A_459 = tpu.memref_slice %arg12[%dma_wait3A_458] : memref<10240xf32, #tpu.memory_space<vmem_shared>> -> memref<10240xf32, #tpu.memory_space<vmem_shared>>
          tpu.wait_indirect_dma semaphore(%arg22 : memref<!tpu.dma_semaphore, #tpu.memory_space<semaphore_mem>>) src(%arg8 : memref<128xf32, #tpu.memory_space<vmem>>) dst(%dma_wait3A_459 : memref<10240xf32, #tpu.memory_space<vmem_shared>>)
        } else {
        }
      } else {
      }
      %dma_start3A_260 = arith.constant 0 : i32
      %dma_start3A_261 = arith.constant 4 : i32
      %dma_start3A_262 = arith.constant 4 : i32
      %dma_start3A_263 = arith.constant 0 : i32
      %dma_start3A_264 = arith.constant 0 : i32
      %dma_start3A_265 = tpu.memref_slice %arg7[%dma_start3A_262, %dma_start3A_263, %dma_start3A_264] : memref<5x128x64xf32, #tpu.memory_space<vmem>> -> memref<1x128x64xf32, #tpu.memory_space<vmem>>
      %dma_start3A_266 = tpu.memref_squeeze %dma_start3A_265 : memref<1x128x64xf32, #tpu.memory_space<vmem>> -> memref<128x64xf32, #tpu.memory_space<vmem>>
      %dma_start3A_267 = arith.constant 0 : i32
      %dma_start3A_268 = tpu.memref_slice %arg6[%rem3A_179, %dma_start3A_260, %dma_start3A_261, %dma_start3A_267] : memref<2x2x5x128xi32, #tpu.memory_space<vmem>> -> memref<1x1x1x128xi32, #tpu.memory_space<vmem>>
      %dma_start3A_269 = tpu.memref_squeeze %dma_start3A_268 : memref<1x1x1x128xi32, #tpu.memory_space<vmem>> -> memref<128xi32, #tpu.memory_space<vmem>>
      %dma_start3A_270 = arith.constant 0 : i32
      %dma_start3A_271 = arith.constant 0 : i32
      %dma_start3A_272 = tpu.memref_slice %arg11[%dma_start3A_270, %dma_start3A_271] : memref<10240x64xf32, #tpu.memory_space<vmem_shared>> -> memref<10240x64xf32, #tpu.memory_space<vmem_shared>>
      tpu.enqueue_indirect_dma source(%dma_start3A_272 : memref<10240x64xf32, #tpu.memory_space<vmem_shared>>) target(%dma_start3A_266 : memref<128x64xf32, #tpu.memory_space<vmem>>) offsets(%dma_start3A_269 : memref<128xi32, #tpu.memory_space<vmem>>) semaphore(%arg17 : memref<!tpu.dma_semaphore, #tpu.memory_space<semaphore_mem>>)
      %add3A_273 = arith.constant 1 : i32
      %add3A_274 = arith.addi %scan3A_177, %add3A_273 : i32
      %lt3A = arith.constant 32 : i32
      %lt3A_275 = arith.cmpi slt, %add3A_274, %lt3A : i32
      %convert_element_type3A_276 = arith.extui %lt3A_275 : i1 to i32
      %cond3A_277 = arith.constant 0 : i32
      %cond3A_278 = arith.cmpi ne, %convert_element_type3A_276, %cond3A_277 : i32
      scf.if %cond3A_278 {
        %add3A_435 = arith.constant 1 : i32
        %add3A_436 = arith.addi %scan3A_177, %add3A_435 : i32
        %sub3A = arith.constant 1 : i32
        %sub3A_437 = arith.subi %sub3A, %rem3A_179 : i32
        %dma_start3A_438 = arith.constant 0 : i32
        %dma_start3A_439 = arith.constant 0 : i32
        %dma_start3A_440 = arith.constant 0 : i32
        %dma_start3A_441 = tpu.memref_slice %arg6[%sub3A_437, %dma_start3A_438, %dma_start3A_439, %dma_start3A_440] : memref<2x2x5x128xi32, #tpu.memory_space<vmem>> -> memref<1x2x5x128xi32, #tpu.memory_space<vmem>>
        %dma_start3A_442 = tpu.memref_squeeze %dma_start3A_441 : memref<1x2x5x128xi32, #tpu.memory_space<vmem>> -> memref<2x5x128xi32, #tpu.memory_space<vmem>>
        %dma_start3A_443 = arith.constant 0 : i32
        %dma_start3A_444 = arith.constant 0 : i32
        %dma_start3A_445 = arith.constant 0 : i32
        %dma_start3A_446 = tpu.memref_slice %arg3[%arg1, %add3A_436, %dma_start3A_443, %dma_start3A_444, %dma_start3A_445] : memref<16x32x2x5x128xi32, #tpu.memory_space<hbm>> -> memref<1x1x2x5x128xi32, #tpu.memory_space<hbm>>
        %dma_start3A_447 = tpu.memref_squeeze %dma_start3A_446 : memref<1x1x2x5x128xi32, #tpu.memory_space<hbm>> -> memref<2x5x128xi32, #tpu.memory_space<hbm>>
        %dma_start3A_448 = arith.constant 0 : i32
        %dma_start3A_449 = arith.constant 0 : i32
        %dma_start3A_450 = arith.constant 0 : i32
        %dma_start3A_451 = tpu.memref_slice %arg6[%sub3A_437, %dma_start3A_448, %dma_start3A_449, %dma_start3A_450] : memref<2x2x5x128xi32, #tpu.memory_space<vmem>> -> memref<1x2x5x128xi32, #tpu.memory_space<vmem>>
        %dma_start3A_452 = tpu.memref_squeeze %dma_start3A_451 : memref<1x2x5x128xi32, #tpu.memory_space<vmem>> -> memref<2x5x128xi32, #tpu.memory_space<vmem>>
        %dma_start3A_453 = arith.constant 0 : i32
        %dma_start3A_454 = arith.constant 0 : i32
        %dma_start3A_455 = arith.constant 0 : i32
        %dma_start3A_456 = tpu.memref_slice %arg3[%arg1, %add3A_436, %dma_start3A_453, %dma_start3A_454, %dma_start3A_455] : memref<16x32x2x5x128xi32, #tpu.memory_space<hbm>> -> memref<1x1x2x5x128xi32, #tpu.memory_space<hbm>>
        %dma_start3A_457 = tpu.memref_squeeze %dma_start3A_456 : memref<1x1x2x5x128xi32, #tpu.memory_space<hbm>> -> memref<2x5x128xi32, #tpu.memory_space<hbm>>
        tpu.enqueue_dma source(%dma_start3A_457 : memref<2x5x128xi32, #tpu.memory_space<hbm>>) target(%dma_start3A_452 : memref<2x5x128xi32, #tpu.memory_space<vmem>>) target_semaphore(%arg23 : memref<!tpu.dma_semaphore, #tpu.memory_space<semaphore_mem>>)
      } else {
      }
      %dma_wait3A_279 = arith.constant 0 : i32
      %dma_wait3A_280 = arith.constant 0 : i32
      %dma_wait3A_281 = arith.constant 0 : i32
      %dma_wait3A_282 = arith.constant 0 : i32
      %dma_wait3A_283 = arith.constant 0 : i32
      %dma_wait3A_284 = tpu.memref_slice %arg7[%dma_wait3A_281, %dma_wait3A_282, %dma_wait3A_283] : memref<5x128x64xf32, #tpu.memory_space<vmem>> -> memref<1x128x64xf32, #tpu.memory_space<vmem>>
      %dma_wait3A_285 = tpu.memref_squeeze %dma_wait3A_284 : memref<1x128x64xf32, #tpu.memory_space<vmem>> -> memref<128x64xf32, #tpu.memory_space<vmem>>
      %dma_wait3A_286 = arith.constant 0 : i32
      %dma_wait3A_287 = tpu.memref_slice %arg6[%rem3A_179, %dma_wait3A_279, %dma_wait3A_280, %dma_wait3A_286] : memref<2x2x5x128xi32, #tpu.memory_space<vmem>> -> memref<1x1x1x128xi32, #tpu.memory_space<vmem>>
      %dma_wait3A_288 = tpu.memref_squeeze %dma_wait3A_287 : memref<1x1x1x128xi32, #tpu.memory_space<vmem>> -> memref<128xi32, #tpu.memory_space<vmem>>
      %dma_wait3A_289 = arith.constant 0 : i32
      %dma_wait3A_290 = arith.constant 0 : i32
      %dma_wait3A_291 = tpu.memref_slice %arg11[%dma_wait3A_289, %dma_wait3A_290] : memref<10240x64xf32, #tpu.memory_space<vmem_shared>> -> memref<10240x64xf32, #tpu.memory_space<vmem_shared>>
      tpu.wait_indirect_dma semaphore(%arg13 : memref<!tpu.dma_semaphore, #tpu.memory_space<semaphore_mem>>) src(%dma_wait3A_291 : memref<10240x64xf32, #tpu.memory_space<vmem_shared>>) dst(%dma_wait3A_285 : memref<128x64xf32, #tpu.memory_space<vmem>>)
      %dma_start3A_292 = arith.constant 0 : i32
      %dma_start3A_293 = arith.constant 1 : i32
      %dma_start3A_294 = arith.constant 0 : i32
      %dma_start3A_295 = arith.constant 0 : i32
      %dma_start3A_296 = arith.constant 0 : i32
      %dma_start3A_297 = tpu.memref_slice %arg7[%dma_start3A_292, %dma_start3A_295, %dma_start3A_296] : memref<5x128x64xf32, #tpu.memory_space<vmem>> -> memref<1x128x64xf32, #tpu.memory_space<vmem>>
      %dma_start3A_298 = tpu.memref_squeeze %dma_start3A_297 : memref<1x128x64xf32, #tpu.memory_space<vmem>> -> memref<128x64xf32, #tpu.memory_space<vmem>>
      %dma_start3A_299 = arith.constant 0 : i32
      %dma_start3A_300 = tpu.memref_slice %arg6[%rem3A_179, %dma_start3A_293, %dma_start3A_294, %dma_start3A_299] : memref<2x2x5x128xi32, #tpu.memory_space<vmem>> -> memref<1x1x1x128xi32, #tpu.memory_space<vmem>>
      %dma_start3A_301 = tpu.memref_squeeze %dma_start3A_300 : memref<1x1x1x128xi32, #tpu.memory_space<vmem>> -> memref<128xi32, #tpu.memory_space<vmem>>
      %dma_start3A_302 = arith.constant 0 : i32
      %dma_start3A_303 = arith.constant 0 : i32
      %dma_start3A_304 = tpu.memref_slice %arg10[%dma_start3A_302, %dma_start3A_303] : memref<10240x64xf32, #tpu.memory_space<vmem_shared>> -> memref<10240x64xf32, #tpu.memory_space<vmem_shared>>
      tpu.enqueue_indirect_dma source(%dma_start3A_298 : memref<128x64xf32, #tpu.memory_space<vmem>>) target(%dma_start3A_304 : memref<10240x64xf32, #tpu.memory_space<vmem_shared>>) offsets(%dma_start3A_301 : memref<128xi32, #tpu.memory_space<vmem>>) semaphore(%arg18 : memref<!tpu.dma_semaphore, #tpu.memory_space<semaphore_mem>>) {add = true}
      %eq3A_305 = arith.constant 0 : i32
      %eq3A_306 = arith.cmpi eq, %arg0, %eq3A_305 : i32
      %convert_element_type3A_307 = arith.extui %eq3A_306 : i1 to i32
      %cond3A_308 = arith.constant 0 : i32
      %cond3A_309 = arith.cmpi ne, %convert_element_type3A_307, %cond3A_308 : i32
      scf.if %cond3A_309 {
        %dma_start3A_435 = arith.constant 1 : i32
        %dma_start3A_436 = arith.constant 0 : i32
        %dma_start3A_437 = arith.constant 0 : i32
        %dma_start3A_438 = tpu.memref_slice %arg6[%rem3A_179, %dma_start3A_435, %dma_start3A_436, %dma_start3A_437] : memref<2x2x5x128xi32, #tpu.memory_space<vmem>> -> memref<1x1x1x128xi32, #tpu.memory_space<vmem>>
        %dma_start3A_439 = tpu.memref_squeeze %dma_start3A_438 : memref<1x1x1x128xi32, #tpu.memory_space<vmem>> -> memref<128xi32, #tpu.memory_space<vmem>>
        %dma_start3A_440 = arith.constant 0 : i32
        %dma_start3A_441 = tpu.memref_slice %arg12[%dma_start3A_440] : memref<10240xf32, #tpu.memory_space<vmem_shared>> -> memref<10240xf32, #tpu.memory_space<vmem_shared>>
        tpu.enqueue_indirect_dma source(%arg8 : memref<128xf32, #tpu.memory_space<vmem>>) target(%dma_start3A_441 : memref<10240xf32, #tpu.memory_space<vmem_shared>>) offsets(%dma_start3A_439 : memref<128xi32, #tpu.memory_space<vmem>>) semaphore(%arg18 : memref<!tpu.dma_semaphore, #tpu.memory_space<semaphore_mem>>) {add = true}
      } else {
      }
      %dma_wait3A_310 = arith.constant 0 : i32
      %dma_wait3A_311 = arith.constant 1 : i32
      %dma_wait3A_312 = arith.constant 1 : i32
      %dma_wait3A_313 = arith.constant 0 : i32
      %dma_wait3A_314 = arith.constant 0 : i32
      %dma_wait3A_315 = tpu.memref_slice %arg7[%dma_wait3A_312, %dma_wait3A_313, %dma_wait3A_314] : memref<5x128x64xf32, #tpu.memory_space<vmem>> -> memref<1x128x64xf32, #tpu.memory_space<vmem>>
      %dma_wait3A_316 = tpu.memref_squeeze %dma_wait3A_315 : memref<1x128x64xf32, #tpu.memory_space<vmem>> -> memref<128x64xf32, #tpu.memory_space<vmem>>
      %dma_wait3A_317 = arith.constant 0 : i32
      %dma_wait3A_318 = tpu.memref_slice %arg6[%rem3A_179, %dma_wait3A_310, %dma_wait3A_311, %dma_wait3A_317] : memref<2x2x5x128xi32, #tpu.memory_space<vmem>> -> memref<1x1x1x128xi32, #tpu.memory_space<vmem>>
      %dma_wait3A_319 = tpu.memref_squeeze %dma_wait3A_318 : memref<1x1x1x128xi32, #tpu.memory_space<vmem>> -> memref<128xi32, #tpu.memory_space<vmem>>
      %dma_wait3A_320 = arith.constant 0 : i32
      %dma_wait3A_321 = arith.constant 0 : i32
      %dma_wait3A_322 = tpu.memref_slice %arg11[%dma_wait3A_320, %dma_wait3A_321] : memref<10240x64xf32, #tpu.memory_space<vmem_shared>> -> memref<10240x64xf32, #tpu.memory_space<vmem_shared>>
      tpu.wait_indirect_dma semaphore(%arg14 : memref<!tpu.dma_semaphore, #tpu.memory_space<semaphore_mem>>) src(%dma_wait3A_322 : memref<10240x64xf32, #tpu.memory_space<vmem_shared>>) dst(%dma_wait3A_316 : memref<128x64xf32, #tpu.memory_space<vmem>>)
      %dma_start3A_323 = arith.constant 1 : i32
      %dma_start3A_324 = arith.constant 1 : i32
      %dma_start3A_325 = arith.constant 1 : i32
      %dma_start3A_326 = arith.constant 0 : i32
      %dma_start3A_327 = arith.constant 0 : i32
      %dma_start3A_328 = tpu.memref_slice %arg7[%dma_start3A_323, %dma_start3A_326, %dma_start3A_327] : memref<5x128x64xf32, #tpu.memory_space<vmem>> -> memref<1x128x64xf32, #tpu.memory_space<vmem>>
      %dma_start3A_329 = tpu.memref_squeeze %dma_start3A_328 : memref<1x128x64xf32, #tpu.memory_space<vmem>> -> memref<128x64xf32, #tpu.memory_space<vmem>>
      %dma_start3A_330 = arith.constant 0 : i32
      %dma_start3A_331 = tpu.memref_slice %arg6[%rem3A_179, %dma_start3A_324, %dma_start3A_325, %dma_start3A_330] : memref<2x2x5x128xi32, #tpu.memory_space<vmem>> -> memref<1x1x1x128xi32, #tpu.memory_space<vmem>>
      %dma_start3A_332 = tpu.memref_squeeze %dma_start3A_331 : memref<1x1x1x128xi32, #tpu.memory_space<vmem>> -> memref<128xi32, #tpu.memory_space<vmem>>
      %dma_start3A_333 = arith.constant 0 : i32
      %dma_start3A_334 = arith.constant 0 : i32
      %dma_start3A_335 = tpu.memref_slice %arg10[%dma_start3A_333, %dma_start3A_334] : memref<10240x64xf32, #tpu.memory_space<vmem_shared>> -> memref<10240x64xf32, #tpu.memory_space<vmem_shared>>
      tpu.enqueue_indirect_dma source(%dma_start3A_329 : memref<128x64xf32, #tpu.memory_space<vmem>>) target(%dma_start3A_335 : memref<10240x64xf32, #tpu.memory_space<vmem_shared>>) offsets(%dma_start3A_332 : memref<128xi32, #tpu.memory_space<vmem>>) semaphore(%arg19 : memref<!tpu.dma_semaphore, #tpu.memory_space<semaphore_mem>>) {add = true}
      %eq3A_336 = arith.constant 1 : i32
      %eq3A_337 = arith.cmpi eq, %arg0, %eq3A_336 : i32
      %convert_element_type3A_338 = arith.extui %eq3A_337 : i1 to i32
      %cond3A_339 = arith.constant 0 : i32
      %cond3A_340 = arith.cmpi ne, %convert_element_type3A_338, %cond3A_339 : i32
      scf.if %cond3A_340 {
        %dma_start3A_435 = arith.constant 1 : i32
        %dma_start3A_436 = arith.constant 1 : i32
        %dma_start3A_437 = arith.constant 0 : i32
        %dma_start3A_438 = tpu.memref_slice %arg6[%rem3A_179, %dma_start3A_435, %dma_start3A_436, %dma_start3A_437] : memref<2x2x5x128xi32, #tpu.memory_space<vmem>> -> memref<1x1x1x128xi32, #tpu.memory_space<vmem>>
        %dma_start3A_439 = tpu.memref_squeeze %dma_start3A_438 : memref<1x1x1x128xi32, #tpu.memory_space<vmem>> -> memref<128xi32, #tpu.memory_space<vmem>>
        %dma_start3A_440 = arith.constant 0 : i32
        %dma_start3A_441 = tpu.memref_slice %arg12[%dma_start3A_440] : memref<10240xf32, #tpu.memory_space<vmem_shared>> -> memref<10240xf32, #tpu.memory_space<vmem_shared>>
        tpu.enqueue_indirect_dma source(%arg8 : memref<128xf32, #tpu.memory_space<vmem>>) target(%dma_start3A_441 : memref<10240xf32, #tpu.memory_space<vmem_shared>>) offsets(%dma_start3A_439 : memref<128xi32, #tpu.memory_space<vmem>>) semaphore(%arg19 : memref<!tpu.dma_semaphore, #tpu.memory_space<semaphore_mem>>) {add = true}
      } else {
      }
      %dma_wait3A_341 = arith.constant 0 : i32
      %dma_wait3A_342 = arith.constant 2 : i32
      %dma_wait3A_343 = arith.constant 2 : i32
      %dma_wait3A_344 = arith.constant 0 : i32
      %dma_wait3A_345 = arith.constant 0 : i32
      %dma_wait3A_346 = tpu.memref_slice %arg7[%dma_wait3A_343, %dma_wait3A_344, %dma_wait3A_345] : memref<5x128x64xf32, #tpu.memory_space<vmem>> -> memref<1x128x64xf32, #tpu.memory_space<vmem>>
      %dma_wait3A_347 = tpu.memref_squeeze %dma_wait3A_346 : memref<1x128x64xf32, #tpu.memory_space<vmem>> -> memref<128x64xf32, #tpu.memory_space<vmem>>
      %dma_wait3A_348 = arith.constant 0 : i32
      %dma_wait3A_349 = tpu.memref_slice %arg6[%rem3A_179, %dma_wait3A_341, %dma_wait3A_342, %dma_wait3A_348] : memref<2x2x5x128xi32, #tpu.memory_space<vmem>> -> memref<1x1x1x128xi32, #tpu.memory_space<vmem>>
      %dma_wait3A_350 = tpu.memref_squeeze %dma_wait3A_349 : memref<1x1x1x128xi32, #tpu.memory_space<vmem>> -> memref<128xi32, #tpu.memory_space<vmem>>
      %dma_wait3A_351 = arith.constant 0 : i32
      %dma_wait3A_352 = arith.constant 0 : i32
      %dma_wait3A_353 = tpu.memref_slice %arg11[%dma_wait3A_351, %dma_wait3A_352] : memref<10240x64xf32, #tpu.memory_space<vmem_shared>> -> memref<10240x64xf32, #tpu.memory_space<vmem_shared>>
      tpu.wait_indirect_dma semaphore(%arg15 : memref<!tpu.dma_semaphore, #tpu.memory_space<semaphore_mem>>) src(%dma_wait3A_353 : memref<10240x64xf32, #tpu.memory_space<vmem_shared>>) dst(%dma_wait3A_347 : memref<128x64xf32, #tpu.memory_space<vmem>>)
      %dma_start3A_354 = arith.constant 2 : i32
      %dma_start3A_355 = arith.constant 1 : i32
      %dma_start3A_356 = arith.constant 2 : i32
      %dma_start3A_357 = arith.constant 0 : i32
      %dma_start3A_358 = arith.constant 0 : i32
      %dma_start3A_359 = tpu.memref_slice %arg7[%dma_start3A_354, %dma_start3A_357, %dma_start3A_358] : memref<5x128x64xf32, #tpu.memory_space<vmem>> -> memref<1x128x64xf32, #tpu.memory_space<vmem>>
      %dma_start3A_360 = tpu.memref_squeeze %dma_start3A_359 : memref<1x128x64xf32, #tpu.memory_space<vmem>> -> memref<128x64xf32, #tpu.memory_space<vmem>>
      %dma_start3A_361 = arith.constant 0 : i32
      %dma_start3A_362 = tpu.memref_slice %arg6[%rem3A_179, %dma_start3A_355, %dma_start3A_356, %dma_start3A_361] : memref<2x2x5x128xi32, #tpu.memory_space<vmem>> -> memref<1x1x1x128xi32, #tpu.memory_space<vmem>>
      %dma_start3A_363 = tpu.memref_squeeze %dma_start3A_362 : memref<1x1x1x128xi32, #tpu.memory_space<vmem>> -> memref<128xi32, #tpu.memory_space<vmem>>
      %dma_start3A_364 = arith.constant 0 : i32
      %dma_start3A_365 = arith.constant 0 : i32
      %dma_start3A_366 = tpu.memref_slice %arg10[%dma_start3A_364, %dma_start3A_365] : memref<10240x64xf32, #tpu.memory_space<vmem_shared>> -> memref<10240x64xf32, #tpu.memory_space<vmem_shared>>
      tpu.enqueue_indirect_dma source(%dma_start3A_360 : memref<128x64xf32, #tpu.memory_space<vmem>>) target(%dma_start3A_366 : memref<10240x64xf32, #tpu.memory_space<vmem_shared>>) offsets(%dma_start3A_363 : memref<128xi32, #tpu.memory_space<vmem>>) semaphore(%arg20 : memref<!tpu.dma_semaphore, #tpu.memory_space<semaphore_mem>>) {add = true}
      %eq3A_367 = arith.constant 0 : i32
      %eq3A_368 = arith.cmpi eq, %arg0, %eq3A_367 : i32
      %convert_element_type3A_369 = arith.extui %eq3A_368 : i1 to i32
      %cond3A_370 = arith.constant 0 : i32
      %cond3A_371 = arith.cmpi ne, %convert_element_type3A_369, %cond3A_370 : i32
      scf.if %cond3A_371 {
        %dma_start3A_435 = arith.constant 1 : i32
        %dma_start3A_436 = arith.constant 2 : i32
        %dma_start3A_437 = arith.constant 0 : i32
        %dma_start3A_438 = tpu.memref_slice %arg6[%rem3A_179, %dma_start3A_435, %dma_start3A_436, %dma_start3A_437] : memref<2x2x5x128xi32, #tpu.memory_space<vmem>> -> memref<1x1x1x128xi32, #tpu.memory_space<vmem>>
        %dma_start3A_439 = tpu.memref_squeeze %dma_start3A_438 : memref<1x1x1x128xi32, #tpu.memory_space<vmem>> -> memref<128xi32, #tpu.memory_space<vmem>>
        %dma_start3A_440 = arith.constant 0 : i32
        %dma_start3A_441 = tpu.memref_slice %arg12[%dma_start3A_440] : memref<10240xf32, #tpu.memory_space<vmem_shared>> -> memref<10240xf32, #tpu.memory_space<vmem_shared>>
        tpu.enqueue_indirect_dma source(%arg8 : memref<128xf32, #tpu.memory_space<vmem>>) target(%dma_start3A_441 : memref<10240xf32, #tpu.memory_space<vmem_shared>>) offsets(%dma_start3A_439 : memref<128xi32, #tpu.memory_space<vmem>>) semaphore(%arg20 : memref<!tpu.dma_semaphore, #tpu.memory_space<semaphore_mem>>) {add = true}
      } else {
      }
      %dma_wait3A_372 = arith.constant 0 : i32
      %dma_wait3A_373 = arith.constant 3 : i32
      %dma_wait3A_374 = arith.constant 3 : i32
      %dma_wait3A_375 = arith.constant 0 : i32
      %dma_wait3A_376 = arith.constant 0 : i32
      %dma_wait3A_377 = tpu.memref_slice %arg7[%dma_wait3A_374, %dma_wait3A_375, %dma_wait3A_376] : memref<5x128x64xf32, #tpu.memory_space<vmem>> -> memref<1x128x64xf32, #tpu.memory_space<vmem>>
      %dma_wait3A_378 = tpu.memref_squeeze %dma_wait3A_377 : memref<1x128x64xf32, #tpu.memory_space<vmem>> -> memref<128x64xf32, #tpu.memory_space<vmem>>
      %dma_wait3A_379 = arith.constant 0 : i32
      %dma_wait3A_380 = tpu.memref_slice %arg6[%rem3A_179, %dma_wait3A_372, %dma_wait3A_373, %dma_wait3A_379] : memref<2x2x5x128xi32, #tpu.memory_space<vmem>> -> memref<1x1x1x128xi32, #tpu.memory_space<vmem>>
      %dma_wait3A_381 = tpu.memref_squeeze %dma_wait3A_380 : memref<1x1x1x128xi32, #tpu.memory_space<vmem>> -> memref<128xi32, #tpu.memory_space<vmem>>
      %dma_wait3A_382 = arith.constant 0 : i32
      %dma_wait3A_383 = arith.constant 0 : i32
      %dma_wait3A_384 = tpu.memref_slice %arg11[%dma_wait3A_382, %dma_wait3A_383] : memref<10240x64xf32, #tpu.memory_space<vmem_shared>> -> memref<10240x64xf32, #tpu.memory_space<vmem_shared>>
      tpu.wait_indirect_dma semaphore(%arg16 : memref<!tpu.dma_semaphore, #tpu.memory_space<semaphore_mem>>) src(%dma_wait3A_384 : memref<10240x64xf32, #tpu.memory_space<vmem_shared>>) dst(%dma_wait3A_378 : memref<128x64xf32, #tpu.memory_space<vmem>>)
      %dma_start3A_385 = arith.constant 3 : i32
      %dma_start3A_386 = arith.constant 1 : i32
      %dma_start3A_387 = arith.constant 3 : i32
      %dma_start3A_388 = arith.constant 0 : i32
      %dma_start3A_389 = arith.constant 0 : i32
      %dma_start3A_390 = tpu.memref_slice %arg7[%dma_start3A_385, %dma_start3A_388, %dma_start3A_389] : memref<5x128x64xf32, #tpu.memory_space<vmem>> -> memref<1x128x64xf32, #tpu.memory_space<vmem>>
      %dma_start3A_391 = tpu.memref_squeeze %dma_start3A_390 : memref<1x128x64xf32, #tpu.memory_space<vmem>> -> memref<128x64xf32, #tpu.memory_space<vmem>>
      %dma_start3A_392 = arith.constant 0 : i32
      %dma_start3A_393 = tpu.memref_slice %arg6[%rem3A_179, %dma_start3A_386, %dma_start3A_387, %dma_start3A_392] : memref<2x2x5x128xi32, #tpu.memory_space<vmem>> -> memref<1x1x1x128xi32, #tpu.memory_space<vmem>>
      %dma_start3A_394 = tpu.memref_squeeze %dma_start3A_393 : memref<1x1x1x128xi32, #tpu.memory_space<vmem>> -> memref<128xi32, #tpu.memory_space<vmem>>
      %dma_start3A_395 = arith.constant 0 : i32
      %dma_start3A_396 = arith.constant 0 : i32
      %dma_start3A_397 = tpu.memref_slice %arg10[%dma_start3A_395, %dma_start3A_396] : memref<10240x64xf32, #tpu.memory_space<vmem_shared>> -> memref<10240x64xf32, #tpu.memory_space<vmem_shared>>
      tpu.enqueue_indirect_dma source(%dma_start3A_391 : memref<128x64xf32, #tpu.memory_space<vmem>>) target(%dma_start3A_397 : memref<10240x64xf32, #tpu.memory_space<vmem_shared>>) offsets(%dma_start3A_394 : memref<128xi32, #tpu.memory_space<vmem>>) semaphore(%arg21 : memref<!tpu.dma_semaphore, #tpu.memory_space<semaphore_mem>>) {add = true}
      %eq3A_398 = arith.constant 1 : i32
      %eq3A_399 = arith.cmpi eq, %arg0, %eq3A_398 : i32
      %convert_element_type3A_400 = arith.extui %eq3A_399 : i1 to i32
      %cond3A_401 = arith.constant 0 : i32
      %cond3A_402 = arith.cmpi ne, %convert_element_type3A_400, %cond3A_401 : i32
      scf.if %cond3A_402 {
        %dma_start3A_435 = arith.constant 1 : i32
        %dma_start3A_436 = arith.constant 3 : i32
        %dma_start3A_437 = arith.constant 0 : i32
        %dma_start3A_438 = tpu.memref_slice %arg6[%rem3A_179, %dma_start3A_435, %dma_start3A_436, %dma_start3A_437] : memref<2x2x5x128xi32, #tpu.memory_space<vmem>> -> memref<1x1x1x128xi32, #tpu.memory_space<vmem>>
        %dma_start3A_439 = tpu.memref_squeeze %dma_start3A_438 : memref<1x1x1x128xi32, #tpu.memory_space<vmem>> -> memref<128xi32, #tpu.memory_space<vmem>>
        %dma_start3A_440 = arith.constant 0 : i32
        %dma_start3A_441 = tpu.memref_slice %arg12[%dma_start3A_440] : memref<10240xf32, #tpu.memory_space<vmem_shared>> -> memref<10240xf32, #tpu.memory_space<vmem_shared>>
        tpu.enqueue_indirect_dma source(%arg8 : memref<128xf32, #tpu.memory_space<vmem>>) target(%dma_start3A_441 : memref<10240xf32, #tpu.memory_space<vmem_shared>>) offsets(%dma_start3A_439 : memref<128xi32, #tpu.memory_space<vmem>>) semaphore(%arg21 : memref<!tpu.dma_semaphore, #tpu.memory_space<semaphore_mem>>) {add = true}
      } else {
      }
      %dma_wait3A_403 = arith.constant 0 : i32
      %dma_wait3A_404 = arith.constant 4 : i32
      %dma_wait3A_405 = arith.constant 4 : i32
      %dma_wait3A_406 = arith.constant 0 : i32
      %dma_wait3A_407 = arith.constant 0 : i32
      %dma_wait3A_408 = tpu.memref_slice %arg7[%dma_wait3A_405, %dma_wait3A_406, %dma_wait3A_407] : memref<5x128x64xf32, #tpu.memory_space<vmem>> -> memref<1x128x64xf32, #tpu.memory_space<vmem>>
      %dma_wait3A_409 = tpu.memref_squeeze %dma_wait3A_408 : memref<1x128x64xf32, #tpu.memory_space<vmem>> -> memref<128x64xf32, #tpu.memory_space<vmem>>
      %dma_wait3A_410 = arith.constant 0 : i32
      %dma_wait3A_411 = tpu.memref_slice %arg6[%rem3A_179, %dma_wait3A_403, %dma_wait3A_404, %dma_wait3A_410] : memref<2x2x5x128xi32, #tpu.memory_space<vmem>> -> memref<1x1x1x128xi32, #tpu.memory_space<vmem>>
      %dma_wait3A_412 = tpu.memref_squeeze %dma_wait3A_411 : memref<1x1x1x128xi32, #tpu.memory_space<vmem>> -> memref<128xi32, #tpu.memory_space<vmem>>
      %dma_wait3A_413 = arith.constant 0 : i32
      %dma_wait3A_414 = arith.constant 0 : i32
      %dma_wait3A_415 = tpu.memref_slice %arg11[%dma_wait3A_413, %dma_wait3A_414] : memref<10240x64xf32, #tpu.memory_space<vmem_shared>> -> memref<10240x64xf32, #tpu.memory_space<vmem_shared>>
      tpu.wait_indirect_dma semaphore(%arg17 : memref<!tpu.dma_semaphore, #tpu.memory_space<semaphore_mem>>) src(%dma_wait3A_415 : memref<10240x64xf32, #tpu.memory_space<vmem_shared>>) dst(%dma_wait3A_409 : memref<128x64xf32, #tpu.memory_space<vmem>>)
      %dma_start3A_416 = arith.constant 4 : i32
      %dma_start3A_417 = arith.constant 1 : i32
      %dma_start3A_418 = arith.constant 4 : i32
      %dma_start3A_419 = arith.constant 0 : i32
      %dma_start3A_420 = arith.constant 0 : i32
      %dma_start3A_421 = tpu.memref_slice %arg7[%dma_start3A_416, %dma_start3A_419, %dma_start3A_420] : memref<5x128x64xf32, #tpu.memory_space<vmem>> -> memref<1x128x64xf32, #tpu.memory_space<vmem>>
      %dma_start3A_422 = tpu.memref_squeeze %dma_start3A_421 : memref<1x128x64xf32, #tpu.memory_space<vmem>> -> memref<128x64xf32, #tpu.memory_space<vmem>>
      %dma_start3A_423 = arith.constant 0 : i32
      %dma_start3A_424 = tpu.memref_slice %arg6[%rem3A_179, %dma_start3A_417, %dma_start3A_418, %dma_start3A_423] : memref<2x2x5x128xi32, #tpu.memory_space<vmem>> -> memref<1x1x1x128xi32, #tpu.memory_space<vmem>>
      %dma_start3A_425 = tpu.memref_squeeze %dma_start3A_424 : memref<1x1x1x128xi32, #tpu.memory_space<vmem>> -> memref<128xi32, #tpu.memory_space<vmem>>
      %dma_start3A_426 = arith.constant 0 : i32
      %dma_start3A_427 = arith.constant 0 : i32
      %dma_start3A_428 = tpu.memref_slice %arg10[%dma_start3A_426, %dma_start3A_427] : memref<10240x64xf32, #tpu.memory_space<vmem_shared>> -> memref<10240x64xf32, #tpu.memory_space<vmem_shared>>
      tpu.enqueue_indirect_dma source(%dma_start3A_422 : memref<128x64xf32, #tpu.memory_space<vmem>>) target(%dma_start3A_428 : memref<10240x64xf32, #tpu.memory_space<vmem_shared>>) offsets(%dma_start3A_425 : memref<128xi32, #tpu.memory_space<vmem>>) semaphore(%arg22 : memref<!tpu.dma_semaphore, #tpu.memory_space<semaphore_mem>>) {add = true}
      %eq3A_429 = arith.constant 0 : i32
      %eq3A_430 = arith.cmpi eq, %arg0, %eq3A_429 : i32
      %convert_element_type3A_431 = arith.extui %eq3A_430 : i1 to i32
      %cond3A_432 = arith.constant 0 : i32
      %cond3A_433 = arith.cmpi ne, %convert_element_type3A_431, %cond3A_432 : i32
      scf.if %cond3A_433 {
        %dma_start3A_435 = arith.constant 1 : i32
        %dma_start3A_436 = arith.constant 4 : i32
        %dma_start3A_437 = arith.constant 0 : i32
        %dma_start3A_438 = tpu.memref_slice %arg6[%rem3A_179, %dma_start3A_435, %dma_start3A_436, %dma_start3A_437] : memref<2x2x5x128xi32, #tpu.memory_space<vmem>> -> memref<1x1x1x128xi32, #tpu.memory_space<vmem>>
        %dma_start3A_439 = tpu.memref_squeeze %dma_start3A_438 : memref<1x1x1x128xi32, #tpu.memory_space<vmem>> -> memref<128xi32, #tpu.memory_space<vmem>>
        %dma_start3A_440 = arith.constant 0 : i32
        %dma_start3A_441 = tpu.memref_slice %arg12[%dma_start3A_440] : memref<10240xf32, #tpu.memory_space<vmem_shared>> -> memref<10240xf32, #tpu.memory_space<vmem_shared>>
        tpu.enqueue_indirect_dma source(%arg8 : memref<128xf32, #tpu.memory_space<vmem>>) target(%dma_start3A_441 : memref<10240xf32, #tpu.memory_space<vmem_shared>>) offsets(%dma_start3A_439 : memref<128xi32, #tpu.memory_space<vmem>>) semaphore(%arg22 : memref<!tpu.dma_semaphore, #tpu.memory_space<semaphore_mem>>) {add = true}
      } else {
      }
      %scan3A_434 = arith.constant 0 : i32
      scf.yield %scan3A_434 : i32
    }
    %scan3A_84 = arith.constant 32 : i32
    %dma_wait3A = arith.constant 0 : i32
    %dma_wait3A_85 = arith.constant 1 : i32
    %dma_wait3A_86 = arith.constant 1 : i32
    %dma_wait3A_87 = arith.constant 0 : i32
    %dma_wait3A_88 = arith.constant 0 : i32
    %dma_wait3A_89 = arith.constant 0 : i32
    %dma_wait3A_90 = tpu.memref_slice %arg7[%dma_wait3A, %dma_wait3A_88, %dma_wait3A_89] : memref<5x128x64xf32, #tpu.memory_space<vmem>> -> memref<1x128x64xf32, #tpu.memory_space<vmem>>
    %dma_wait3A_91 = tpu.memref_squeeze %dma_wait3A_90 : memref<1x128x64xf32, #tpu.memory_space<vmem>> -> memref<128x64xf32, #tpu.memory_space<vmem>>
    %dma_wait3A_92 = arith.constant 0 : i32
    %dma_wait3A_93 = tpu.memref_slice %arg6[%dma_wait3A_85, %dma_wait3A_86, %dma_wait3A_87, %dma_wait3A_92] : memref<2x2x5x128xi32, #tpu.memory_space<vmem>> -> memref<1x1x1x128xi32, #tpu.memory_space<vmem>>
    %dma_wait3A_94 = tpu.memref_squeeze %dma_wait3A_93 : memref<1x1x1x128xi32, #tpu.memory_space<vmem>> -> memref<128xi32, #tpu.memory_space<vmem>>
    %dma_wait3A_95 = arith.constant 0 : i32
    %dma_wait3A_96 = arith.constant 0 : i32
    %dma_wait3A_97 = tpu.memref_slice %arg10[%dma_wait3A_95, %dma_wait3A_96] : memref<10240x64xf32, #tpu.memory_space<vmem_shared>> -> memref<10240x64xf32, #tpu.memory_space<vmem_shared>>
    tpu.wait_indirect_dma semaphore(%arg18 : memref<!tpu.dma_semaphore, #tpu.memory_space<semaphore_mem>>) src(%dma_wait3A_91 : memref<128x64xf32, #tpu.memory_space<vmem>>) dst(%dma_wait3A_97 : memref<10240x64xf32, #tpu.memory_space<vmem_shared>>)
    %eq3A = arith.constant 0 : i32
    %eq3A_98 = arith.cmpi eq, %arg0, %eq3A : i32
    %convert_element_type3A = arith.extui %eq3A_98 : i1 to i32
    %cond3A = arith.constant 0 : i32
    %cond3A_99 = arith.cmpi ne, %convert_element_type3A, %cond3A : i32
    scf.if %cond3A_99 {
      %dma_wait3A_177 = arith.constant 1 : i32
      %dma_wait3A_178 = arith.constant 1 : i32
      %dma_wait3A_179 = arith.constant 0 : i32
      %dma_wait3A_180 = arith.constant 0 : i32
      %dma_wait3A_181 = tpu.memref_slice %arg6[%dma_wait3A_177, %dma_wait3A_178, %dma_wait3A_179, %dma_wait3A_180] : memref<2x2x5x128xi32, #tpu.memory_space<vmem>> -> memref<1x1x1x128xi32, #tpu.memory_space<vmem>>
      %dma_wait3A_182 = tpu.memref_squeeze %dma_wait3A_181 : memref<1x1x1x128xi32, #tpu.memory_space<vmem>> -> memref<128xi32, #tpu.memory_space<vmem>>
      %dma_wait3A_183 = arith.constant 0 : i32
      %dma_wait3A_184 = tpu.memref_slice %arg12[%dma_wait3A_183] : memref<10240xf32, #tpu.memory_space<vmem_shared>> -> memref<10240xf32, #tpu.memory_space<vmem_shared>>
      tpu.wait_indirect_dma semaphore(%arg18 : memref<!tpu.dma_semaphore, #tpu.memory_space<semaphore_mem>>) src(%arg8 : memref<128xf32, #tpu.memory_space<vmem>>) dst(%dma_wait3A_184 : memref<10240xf32, #tpu.memory_space<vmem_shared>>)
    } else {
    }
    %dma_wait3A_100 = arith.constant 1 : i32
    %dma_wait3A_101 = arith.constant 1 : i32
    %dma_wait3A_102 = arith.constant 1 : i32
    %dma_wait3A_103 = arith.constant 1 : i32
    %dma_wait3A_104 = arith.constant 0 : i32
    %dma_wait3A_105 = arith.constant 0 : i32
    %dma_wait3A_106 = tpu.memref_slice %arg7[%dma_wait3A_100, %dma_wait3A_104, %dma_wait3A_105] : memref<5x128x64xf32, #tpu.memory_space<vmem>> -> memref<1x128x64xf32, #tpu.memory_space<vmem>>
    %dma_wait3A_107 = tpu.memref_squeeze %dma_wait3A_106 : memref<1x128x64xf32, #tpu.memory_space<vmem>> -> memref<128x64xf32, #tpu.memory_space<vmem>>
    %dma_wait3A_108 = arith.constant 0 : i32
    %dma_wait3A_109 = tpu.memref_slice %arg6[%dma_wait3A_101, %dma_wait3A_102, %dma_wait3A_103, %dma_wait3A_108] : memref<2x2x5x128xi32, #tpu.memory_space<vmem>> -> memref<1x1x1x128xi32, #tpu.memory_space<vmem>>
    %dma_wait3A_110 = tpu.memref_squeeze %dma_wait3A_109 : memref<1x1x1x128xi32, #tpu.memory_space<vmem>> -> memref<128xi32, #tpu.memory_space<vmem>>
    %dma_wait3A_111 = arith.constant 0 : i32
    %dma_wait3A_112 = arith.constant 0 : i32
    %dma_wait3A_113 = tpu.memref_slice %arg10[%dma_wait3A_111, %dma_wait3A_112] : memref<10240x64xf32, #tpu.memory_space<vmem_shared>> -> memref<10240x64xf32, #tpu.memory_space<vmem_shared>>
    tpu.wait_indirect_dma semaphore(%arg19 : memref<!tpu.dma_semaphore, #tpu.memory_space<semaphore_mem>>) src(%dma_wait3A_107 : memref<128x64xf32, #tpu.memory_space<vmem>>) dst(%dma_wait3A_113 : memref<10240x64xf32, #tpu.memory_space<vmem_shared>>)
    %eq3A_114 = arith.constant 1 : i32
    %eq3A_115 = arith.cmpi eq, %arg0, %eq3A_114 : i32
    %convert_element_type3A_116 = arith.extui %eq3A_115 : i1 to i32
    %cond3A_117 = arith.constant 0 : i32
    %cond3A_118 = arith.cmpi ne, %convert_element_type3A_116, %cond3A_117 : i32
    scf.if %cond3A_118 {
      %dma_wait3A_177 = arith.constant 1 : i32
      %dma_wait3A_178 = arith.constant 1 : i32
      %dma_wait3A_179 = arith.constant 1 : i32
      %dma_wait3A_180 = arith.constant 0 : i32
      %dma_wait3A_181 = tpu.memref_slice %arg6[%dma_wait3A_177, %dma_wait3A_178, %dma_wait3A_179, %dma_wait3A_180] : memref<2x2x5x128xi32, #tpu.memory_space<vmem>> -> memref<1x1x1x128xi32, #tpu.memory_space<vmem>>
      %dma_wait3A_182 = tpu.memref_squeeze %dma_wait3A_181 : memref<1x1x1x128xi32, #tpu.memory_space<vmem>> -> memref<128xi32, #tpu.memory_space<vmem>>
      %dma_wait3A_183 = arith.constant 0 : i32
      %dma_wait3A_184 = tpu.memref_slice %arg12[%dma_wait3A_183] : memref<10240xf32, #tpu.memory_space<vmem_shared>> -> memref<10240xf32, #tpu.memory_space<vmem_shared>>
      tpu.wait_indirect_dma semaphore(%arg19 : memref<!tpu.dma_semaphore, #tpu.memory_space<semaphore_mem>>) src(%arg8 : memref<128xf32, #tpu.memory_space<vmem>>) dst(%dma_wait3A_184 : memref<10240xf32, #tpu.memory_space<vmem_shared>>)
    } else {
    }
    %dma_wait3A_119 = arith.constant 2 : i32
    %dma_wait3A_120 = arith.constant 1 : i32
    %dma_wait3A_121 = arith.constant 1 : i32
    %dma_wait3A_122 = arith.constant 2 : i32
    %dma_wait3A_123 = arith.constant 0 : i32
    %dma_wait3A_124 = arith.constant 0 : i32
    %dma_wait3A_125 = tpu.memref_slice %arg7[%dma_wait3A_119, %dma_wait3A_123, %dma_wait3A_124] : memref<5x128x64xf32, #tpu.memory_space<vmem>> -> memref<1x128x64xf32, #tpu.memory_space<vmem>>
    %dma_wait3A_126 = tpu.memref_squeeze %dma_wait3A_125 : memref<1x128x64xf32, #tpu.memory_space<vmem>> -> memref<128x64xf32, #tpu.memory_space<vmem>>
    %dma_wait3A_127 = arith.constant 0 : i32
    %dma_wait3A_128 = tpu.memref_slice %arg6[%dma_wait3A_120, %dma_wait3A_121, %dma_wait3A_122, %dma_wait3A_127] : memref<2x2x5x128xi32, #tpu.memory_space<vmem>> -> memref<1x1x1x128xi32, #tpu.memory_space<vmem>>
    %dma_wait3A_129 = tpu.memref_squeeze %dma_wait3A_128 : memref<1x1x1x128xi32, #tpu.memory_space<vmem>> -> memref<128xi32, #tpu.memory_space<vmem>>
    %dma_wait3A_130 = arith.constant 0 : i32
    %dma_wait3A_131 = arith.constant 0 : i32
    %dma_wait3A_132 = tpu.memref_slice %arg10[%dma_wait3A_130, %dma_wait3A_131] : memref<10240x64xf32, #tpu.memory_space<vmem_shared>> -> memref<10240x64xf32, #tpu.memory_space<vmem_shared>>
    tpu.wait_indirect_dma semaphore(%arg20 : memref<!tpu.dma_semaphore, #tpu.memory_space<semaphore_mem>>) src(%dma_wait3A_126 : memref<128x64xf32, #tpu.memory_space<vmem>>) dst(%dma_wait3A_132 : memref<10240x64xf32, #tpu.memory_space<vmem_shared>>)
    %eq3A_133 = arith.constant 0 : i32
    %eq3A_134 = arith.cmpi eq, %arg0, %eq3A_133 : i32
    %convert_element_type3A_135 = arith.extui %eq3A_134 : i1 to i32
    %cond3A_136 = arith.constant 0 : i32
    %cond3A_137 = arith.cmpi ne, %convert_element_type3A_135, %cond3A_136 : i32
    scf.if %cond3A_137 {
      %dma_wait3A_177 = arith.constant 1 : i32
      %dma_wait3A_178 = arith.constant 1 : i32
      %dma_wait3A_179 = arith.constant 2 : i32
      %dma_wait3A_180 = arith.constant 0 : i32
      %dma_wait3A_181 = tpu.memref_slice %arg6[%dma_wait3A_177, %dma_wait3A_178, %dma_wait3A_179, %dma_wait3A_180] : memref<2x2x5x128xi32, #tpu.memory_space<vmem>> -> memref<1x1x1x128xi32, #tpu.memory_space<vmem>>
      %dma_wait3A_182 = tpu.memref_squeeze %dma_wait3A_181 : memref<1x1x1x128xi32, #tpu.memory_space<vmem>> -> memref<128xi32, #tpu.memory_space<vmem>>
      %dma_wait3A_183 = arith.constant 0 : i32
      %dma_wait3A_184 = tpu.memref_slice %arg12[%dma_wait3A_183] : memref<10240xf32, #tpu.memory_space<vmem_shared>> -> memref<10240xf32, #tpu.memory_space<vmem_shared>>
      tpu.wait_indirect_dma semaphore(%arg20 : memref<!tpu.dma_semaphore, #tpu.memory_space<semaphore_mem>>) src(%arg8 : memref<128xf32, #tpu.memory_space<vmem>>) dst(%dma_wait3A_184 : memref<10240xf32, #tpu.memory_space<vmem_shared>>)
    } else {
    }
    %dma_wait3A_138 = arith.constant 3 : i32
    %dma_wait3A_139 = arith.constant 1 : i32
    %dma_wait3A_140 = arith.constant 1 : i32
    %dma_wait3A_141 = arith.constant 3 : i32
    %dma_wait3A_142 = arith.constant 0 : i32
    %dma_wait3A_143 = arith.constant 0 : i32
    %dma_wait3A_144 = tpu.memref_slice %arg7[%dma_wait3A_138, %dma_wait3A_142, %dma_wait3A_143] : memref<5x128x64xf32, #tpu.memory_space<vmem>> -> memref<1x128x64xf32, #tpu.memory_space<vmem>>
    %dma_wait3A_145 = tpu.memref_squeeze %dma_wait3A_144 : memref<1x128x64xf32, #tpu.memory_space<vmem>> -> memref<128x64xf32, #tpu.memory_space<vmem>>
    %dma_wait3A_146 = arith.constant 0 : i32
    %dma_wait3A_147 = tpu.memref_slice %arg6[%dma_wait3A_139, %dma_wait3A_140, %dma_wait3A_141, %dma_wait3A_146] : memref<2x2x5x128xi32, #tpu.memory_space<vmem>> -> memref<1x1x1x128xi32, #tpu.memory_space<vmem>>
    %dma_wait3A_148 = tpu.memref_squeeze %dma_wait3A_147 : memref<1x1x1x128xi32, #tpu.memory_space<vmem>> -> memref<128xi32, #tpu.memory_space<vmem>>
    %dma_wait3A_149 = arith.constant 0 : i32
    %dma_wait3A_150 = arith.constant 0 : i32
    %dma_wait3A_151 = tpu.memref_slice %arg10[%dma_wait3A_149, %dma_wait3A_150] : memref<10240x64xf32, #tpu.memory_space<vmem_shared>> -> memref<10240x64xf32, #tpu.memory_space<vmem_shared>>
    tpu.wait_indirect_dma semaphore(%arg21 : memref<!tpu.dma_semaphore, #tpu.memory_space<semaphore_mem>>) src(%dma_wait3A_145 : memref<128x64xf32, #tpu.memory_space<vmem>>) dst(%dma_wait3A_151 : memref<10240x64xf32, #tpu.memory_space<vmem_shared>>)
    %eq3A_152 = arith.constant 1 : i32
    %eq3A_153 = arith.cmpi eq, %arg0, %eq3A_152 : i32
    %convert_element_type3A_154 = arith.extui %eq3A_153 : i1 to i32
    %cond3A_155 = arith.constant 0 : i32
    %cond3A_156 = arith.cmpi ne, %convert_element_type3A_154, %cond3A_155 : i32
    scf.if %cond3A_156 {
      %dma_wait3A_177 = arith.constant 1 : i32
      %dma_wait3A_178 = arith.constant 1 : i32
      %dma_wait3A_179 = arith.constant 3 : i32
      %dma_wait3A_180 = arith.constant 0 : i32
      %dma_wait3A_181 = tpu.memref_slice %arg6[%dma_wait3A_177, %dma_wait3A_178, %dma_wait3A_179, %dma_wait3A_180] : memref<2x2x5x128xi32, #tpu.memory_space<vmem>> -> memref<1x1x1x128xi32, #tpu.memory_space<vmem>>
      %dma_wait3A_182 = tpu.memref_squeeze %dma_wait3A_181 : memref<1x1x1x128xi32, #tpu.memory_space<vmem>> -> memref<128xi32, #tpu.memory_space<vmem>>
      %dma_wait3A_183 = arith.constant 0 : i32
      %dma_wait3A_184 = tpu.memref_slice %arg12[%dma_wait3A_183] : memref<10240xf32, #tpu.memory_space<vmem_shared>> -> memref<10240xf32, #tpu.memory_space<vmem_shared>>
      tpu.wait_indirect_dma semaphore(%arg21 : memref<!tpu.dma_semaphore, #tpu.memory_space<semaphore_mem>>) src(%arg8 : memref<128xf32, #tpu.memory_space<vmem>>) dst(%dma_wait3A_184 : memref<10240xf32, #tpu.memory_space<vmem_shared>>)
    } else {
    }
    %dma_wait3A_157 = arith.constant 4 : i32
    %dma_wait3A_158 = arith.constant 1 : i32
    %dma_wait3A_159 = arith.constant 1 : i32
    %dma_wait3A_160 = arith.constant 4 : i32
    %dma_wait3A_161 = arith.constant 0 : i32
    %dma_wait3A_162 = arith.constant 0 : i32
    %dma_wait3A_163 = tpu.memref_slice %arg7[%dma_wait3A_157, %dma_wait3A_161, %dma_wait3A_162] : memref<5x128x64xf32, #tpu.memory_space<vmem>> -> memref<1x128x64xf32, #tpu.memory_space<vmem>>
    %dma_wait3A_164 = tpu.memref_squeeze %dma_wait3A_163 : memref<1x128x64xf32, #tpu.memory_space<vmem>> -> memref<128x64xf32, #tpu.memory_space<vmem>>
    %dma_wait3A_165 = arith.constant 0 : i32
    %dma_wait3A_166 = tpu.memref_slice %arg6[%dma_wait3A_158, %dma_wait3A_159, %dma_wait3A_160, %dma_wait3A_165] : memref<2x2x5x128xi32, #tpu.memory_space<vmem>> -> memref<1x1x1x128xi32, #tpu.memory_space<vmem>>
    %dma_wait3A_167 = tpu.memref_squeeze %dma_wait3A_166 : memref<1x1x1x128xi32, #tpu.memory_space<vmem>> -> memref<128xi32, #tpu.memory_space<vmem>>
    %dma_wait3A_168 = arith.constant 0 : i32
    %dma_wait3A_169 = arith.constant 0 : i32
    %dma_wait3A_170 = tpu.memref_slice %arg10[%dma_wait3A_168, %dma_wait3A_169] : memref<10240x64xf32, #tpu.memory_space<vmem_shared>> -> memref<10240x64xf32, #tpu.memory_space<vmem_shared>>
    tpu.wait_indirect_dma semaphore(%arg22 : memref<!tpu.dma_semaphore, #tpu.memory_space<semaphore_mem>>) src(%dma_wait3A_164 : memref<128x64xf32, #tpu.memory_space<vmem>>) dst(%dma_wait3A_170 : memref<10240x64xf32, #tpu.memory_space<vmem_shared>>)
    %eq3A_171 = arith.constant 0 : i32
    %eq3A_172 = arith.cmpi eq, %arg0, %eq3A_171 : i32
    %convert_element_type3A_173 = arith.extui %eq3A_172 : i1 to i32
    %cond3A_174 = arith.constant 0 : i32
    %cond3A_175 = arith.cmpi ne, %convert_element_type3A_173, %cond3A_174 : i32
    scf.if %cond3A_175 {
      %dma_wait3A_177 = arith.constant 1 : i32
      %dma_wait3A_178 = arith.constant 1 : i32
      %dma_wait3A_179 = arith.constant 4 : i32
      %dma_wait3A_180 = arith.constant 0 : i32
      %dma_wait3A_181 = tpu.memref_slice %arg6[%dma_wait3A_177, %dma_wait3A_178, %dma_wait3A_179, %dma_wait3A_180] : memref<2x2x5x128xi32, #tpu.memory_space<vmem>> -> memref<1x1x1x128xi32, #tpu.memory_space<vmem>>
      %dma_wait3A_182 = tpu.memref_squeeze %dma_wait3A_181 : memref<1x1x1x128xi32, #tpu.memory_space<vmem>> -> memref<128xi32, #tpu.memory_space<vmem>>
      %dma_wait3A_183 = arith.constant 0 : i32
      %dma_wait3A_184 = tpu.memref_slice %arg12[%dma_wait3A_183] : memref<10240xf32, #tpu.memory_space<vmem_shared>> -> memref<10240xf32, #tpu.memory_space<vmem_shared>>
      tpu.wait_indirect_dma semaphore(%arg22 : memref<!tpu.dma_semaphore, #tpu.memory_space<semaphore_mem>>) src(%arg8 : memref<128xf32, #tpu.memory_space<vmem>>) dst(%dma_wait3A_184 : memref<10240xf32, #tpu.memory_space<vmem_shared>>)
    } else {
    }
    %barrier3A_176 = arith.constant 0 : index
    tpu.barrier barrier_id(%barrier3A_176)
    "tpu.region"() ({
      %run_scoped3A_177 = tpu.sem_alloc : memref<!tpu.dma_semaphore, #tpu.memory_space<semaphore_mem>>
      %dma_start3A = arith.constant 0 : i32
      %dma_start3A_178 = tpu.memref_slice %arg4[%arg0, %mul3A_0, %dma_start3A] : memref<2x10240x64xf32, #tpu.memory_space<hbm>> -> memref<1x640x64xf32, #tpu.memory_space<hbm>>
      %dma_start3A_179 = tpu.memref_squeeze %dma_start3A_178 : memref<1x640x64xf32, #tpu.memory_space<hbm>> -> memref<640x64xf32, #tpu.memory_space<hbm>>
      %dma_start3A_180 = arith.constant 0 : i32
      %dma_start3A_181 = tpu.memref_slice %arg10[%mul3A_0, %dma_start3A_180] : memref<10240x64xf32, #tpu.memory_space<vmem_shared>> -> memref<640x64xf32, #tpu.memory_space<vmem_shared>>
      tpu.enqueue_dma source(%dma_start3A_181 : memref<640x64xf32, #tpu.memory_space<vmem_shared>>) target(%dma_start3A_179 : memref<640x64xf32, #tpu.memory_space<hbm>>) target_semaphore(%run_scoped3A_177 : memref<!tpu.dma_semaphore, #tpu.memory_space<semaphore_mem>>)
      %dma_wait3A_182 = arith.constant 0 : i32
      %dma_wait3A_183 = tpu.memref_slice %arg4[%arg0, %mul3A_0, %dma_wait3A_182] : memref<2x10240x64xf32, #tpu.memory_space<hbm>> -> memref<1x640x64xf32, #tpu.memory_space<hbm>>
      %dma_wait3A_184 = tpu.memref_squeeze %dma_wait3A_183 : memref<1x640x64xf32, #tpu.memory_space<hbm>> -> memref<640x64xf32, #tpu.memory_space<hbm>>
      %dma_wait3A_185 = arith.constant 0 : i32
      %dma_wait3A_186 = tpu.memref_slice %arg10[%mul3A_0, %dma_wait3A_185] : memref<10240x64xf32, #tpu.memory_space<vmem_shared>> -> memref<640x64xf32, #tpu.memory_space<vmem_shared>>
      tpu.wait_dma2 semaphore(%run_scoped3A_177 : memref<!tpu.dma_semaphore, #tpu.memory_space<semaphore_mem>>) src(%dma_wait3A_186 : memref<640x64xf32, #tpu.memory_space<vmem_shared>>) dst(%dma_wait3A_184 : memref<640x64xf32, #tpu.memory_space<hbm>>)
      tpu.yield
    }) : () -> ()
    "tpu.region"() ({
      %run_scoped3A_177 = tpu.sem_alloc : memref<!tpu.dma_semaphore, #tpu.memory_space<semaphore_mem>>
      %dma_start3A = tpu.memref_slice %arg5[%arg0, %mul3A_0] : memref<2x10240xf32, #tpu.memory_space<hbm>> -> memref<1x640xf32, #tpu.memory_space<hbm>>
      %dma_start3A_178 = tpu.memref_squeeze %dma_start3A : memref<1x640xf32, #tpu.memory_space<hbm>> -> memref<640xf32, #tpu.memory_space<hbm>>
      %dma_start3A_179 = tpu.memref_slice %arg12[%mul3A_0] : memref<10240xf32, #tpu.memory_space<vmem_shared>> -> memref<640xf32, #tpu.memory_space<vmem_shared>>
      tpu.enqueue_dma source(%dma_start3A_179 : memref<640xf32, #tpu.memory_space<vmem_shared>>) target(%dma_start3A_178 : memref<640xf32, #tpu.memory_space<hbm>>) target_semaphore(%run_scoped3A_177 : memref<!tpu.dma_semaphore, #tpu.memory_space<semaphore_mem>>)
      %dma_wait3A_180 = tpu.memref_slice %arg5[%arg0, %mul3A_0] : memref<2x10240xf32, #tpu.memory_space<hbm>> -> memref<1x640xf32, #tpu.memory_space<hbm>>
      %dma_wait3A_181 = tpu.memref_squeeze %dma_wait3A_180 : memref<1x640xf32, #tpu.memory_space<hbm>> -> memref<640xf32, #tpu.memory_space<hbm>>
      %dma_wait3A_182 = tpu.memref_slice %arg12[%mul3A_0] : memref<10240xf32, #tpu.memory_space<vmem_shared>> -> memref<640xf32, #tpu.memory_space<vmem_shared>>
      tpu.wait_dma2 semaphore(%run_scoped3A_177 : memref<!tpu.dma_semaphore, #tpu.memory_space<semaphore_mem>>) src(%dma_wait3A_182 : memref<640xf32, #tpu.memory_space<vmem_shared>>) dst(%dma_wait3A_181 : memref<640xf32, #tpu.memory_space<hbm>>)
      tpu.yield
    }) : () -> ()
    return
  }
}

module attributes {stable_mosaic.version = 14 : i64} {
  func.func @_tc_body(%arg0: i32, %arg1: memref<2x2000x64xf32, #tpu.memory_space<vmem>>, %arg2: memref<2x2000x1xf32, #tpu.memory_space<vmem>>, %arg3: memref<2000x128xf32, #tpu.memory_space<vmem>>, %arg4: memref<128x128xf32, #tpu.memory_space<vmem>>, %arg5: memref<1x128xf32, #tpu.memory_space<vmem>>, %arg6: memref<128x256xf32, #tpu.memory_space<vmem>>, %arg7: memref<1x256xf32, #tpu.memory_space<vmem>>, %arg8: memref<256x128xf32, #tpu.memory_space<vmem>>, %arg9: memref<1x128xf32, #tpu.memory_space<vmem>>, %arg10: memref<2000x128xf32, #tpu.memory_space<vmem>>) attributes {dimension_semantics = [#tpu.dimension_semantics<arbitrary>], iteration_bounds = array<i64: 5>, scalar_prefetch = 0 : i64, scratch_operands = 0 : i64, tpu.core_type = #tpu.core_type<tc>, window_params = [{transform_indices = @transform_0, window_bounds = array<i64: 2, 2000, 64>}, {transform_indices = @transform_1, window_bounds = array<i64: 2, 2000, 1>}, {transform_indices = @transform_2, window_bounds = array<i64: 2000, 128>}, {pipeline_mode = #tpu.pipeline_mode<synchronous>, transform_indices = @transform_3, window_bounds = array<i64: 128, 128>}, {pipeline_mode = #tpu.pipeline_mode<synchronous>, transform_indices = @transform_4, window_bounds = array<i64: 1, 128>}, {pipeline_mode = #tpu.pipeline_mode<synchronous>, transform_indices = @transform_5, window_bounds = array<i64: 128, 256>}, {pipeline_mode = #tpu.pipeline_mode<synchronous>, transform_indices = @transform_6, window_bounds = array<i64: 1, 256>}, {pipeline_mode = #tpu.pipeline_mode<synchronous>, transform_indices = @transform_7, window_bounds = array<i64: 256, 128>}, {pipeline_mode = #tpu.pipeline_mode<synchronous>, transform_indices = @transform_8, window_bounds = array<i64: 1, 128>}, {transform_indices = @transform_9, window_bounds = array<i64: 2000, 128>}]} {
    %get3A = arith.constant 0 : index
    %get3A_0 = arith.constant 0 : index
    %get3A_1 = arith.constant 0 : index
    %get3A_2 = vector.load %arg2[%get3A, %get3A_0, %get3A_1] : memref<2x2000x1xf32, #tpu.memory_space<vmem>>, vector<1x2000x1xf32>
    %get3A_3 = vector.shape_cast %get3A_2 : vector<1x2000x1xf32> to vector<2000x1xf32>
    %get3A_4 = arith.constant 1 : index
    %get3A_5 = arith.constant 0 : index
    %get3A_6 = arith.constant 0 : index
    %get3A_7 = vector.load %arg2[%get3A_4, %get3A_5, %get3A_6] : memref<2x2000x1xf32, #tpu.memory_space<vmem>>, vector<1x2000x1xf32>
    %get3A_8 = vector.shape_cast %get3A_7 : vector<1x2000x1xf32> to vector<2000x1xf32>
    %add3A = arith.addf %get3A_3, %get3A_8 : vector<2000x1xf32>
    %max3A = arith.constant 1.000000e+00 : f32
    %max3A_9 = vector.broadcast %max3A : f32 to vector<2000x1xf32>
    %max3A_10 = arith.maximumf %add3A, %max3A_9 : vector<2000x1xf32>
    %get3A_11 = arith.constant 0 : index
    %get3A_12 = arith.constant 0 : index
    %get3A_13 = arith.constant 0 : index
    %get3A_14 = vector.load %arg1[%get3A_11, %get3A_12, %get3A_13] : memref<2x2000x64xf32, #tpu.memory_space<vmem>>, vector<1x2000x64xf32>
    %get3A_15 = vector.shape_cast %get3A_14 : vector<1x2000x64xf32> to vector<2000x64xf32>
    %div3A = vector.broadcast %max3A_10 : vector<2000x1xf32> to vector<2000x64xf32>
    %div3A_16 = arith.divf %get3A_15, %div3A : vector<2000x64xf32>
    %get3A_17 = arith.constant 1 : index
    %get3A_18 = arith.constant 0 : index
    %get3A_19 = arith.constant 0 : index
    %get3A_20 = vector.load %arg1[%get3A_17, %get3A_18, %get3A_19] : memref<2x2000x64xf32, #tpu.memory_space<vmem>>, vector<1x2000x64xf32>
    %get3A_21 = vector.shape_cast %get3A_20 : vector<1x2000x64xf32> to vector<2000x64xf32>
    %div3A_22 = vector.broadcast %max3A_10 : vector<2000x1xf32> to vector<2000x64xf32>
    %div3A_23 = arith.divf %get3A_21, %div3A_22 : vector<2000x64xf32>
    %get3A_24 = arith.constant 0 : index
    %get3A_25 = arith.constant 0 : index
    %get3A_26 = vector.load %arg4[%get3A_24, %get3A_25] : memref<128x128xf32, #tpu.memory_space<vmem>>, vector<64x128xf32>
    %dot_general3A = arith.constant dense<0.000000e+00> : vector<2000x128xf32>
    %dot_general3A_27 = tpu.matmul %div3A_16, %get3A_26, %dot_general3A {dimension_numbers = #tpu.dot_dimension_numbers<[1], [0], [0], [1], [0, 0, 1, 1], [], []>, transpose_lhs_hint = false} : vector<2000x64xf32>, vector<64x128xf32>, vector<2000x128xf32> -> vector<2000x128xf32>
    %get3A_28 = arith.constant 64 : index
    %get3A_29 = arith.constant 0 : index
    %get3A_30 = vector.load %arg4[%get3A_28, %get3A_29] : memref<128x128xf32, #tpu.memory_space<vmem>>, vector<64x128xf32>
    %dot_general3A_31 = arith.constant dense<0.000000e+00> : vector<2000x128xf32>
    %dot_general3A_32 = tpu.matmul %div3A_23, %get3A_30, %dot_general3A_31 {dimension_numbers = #tpu.dot_dimension_numbers<[1], [0], [0], [1], [0, 0, 1, 1], [], []>, transpose_lhs_hint = false} : vector<2000x64xf32>, vector<64x128xf32>, vector<2000x128xf32> -> vector<2000x128xf32>
    %add3A_33 = arith.addf %dot_general3A_27, %dot_general3A_32 : vector<2000x128xf32>
    %get3A_34 = arith.constant 0 : index
    %get3A_35 = arith.constant 0 : index
    %get3A_36 = vector.load %arg5[%get3A_34, %get3A_35] : memref<1x128xf32, #tpu.memory_space<vmem>>, vector<1x128xf32>
    %add3A_37 = vector.broadcast %get3A_36 : vector<1x128xf32> to vector<2000x128xf32>
    %add3A_38 = arith.addf %add3A_33, %add3A_37 : vector<2000x128xf32>
    %max3A_39 = arith.constant 0.000000e+00 : f32
    %max3A_40 = vector.broadcast %max3A_39 : f32 to vector<2000x128xf32>
    %max3A_41 = arith.maximumf %add3A_38, %max3A_40 : vector<2000x128xf32>
    %get3A_42 = arith.constant 0 : index
    %get3A_43 = arith.constant 0 : index
    %get3A_44 = vector.load %arg3[%get3A_42, %get3A_43] : memref<2000x128xf32, #tpu.memory_space<vmem>>, vector<2000x128xf32>
    %add3A_45 = arith.addf %get3A_44, %max3A_41 : vector<2000x128xf32>
    %get3A_46 = arith.constant 0 : index
    %get3A_47 = arith.constant 0 : index
    %get3A_48 = vector.load %arg6[%get3A_46, %get3A_47] : memref<128x256xf32, #tpu.memory_space<vmem>>, vector<128x256xf32>
    %dot_general3A_49 = arith.constant dense<0.000000e+00> : vector<2000x256xf32>
    %dot_general3A_50 = tpu.matmul %add3A_45, %get3A_48, %dot_general3A_49 {dimension_numbers = #tpu.dot_dimension_numbers<[1], [0], [0], [1], [0, 0, 1, 1], [], []>, transpose_lhs_hint = false} : vector<2000x128xf32>, vector<128x256xf32>, vector<2000x256xf32> -> vector<2000x256xf32>
    %get3A_51 = arith.constant 0 : index
    %get3A_52 = arith.constant 0 : index
    %get3A_53 = vector.load %arg7[%get3A_51, %get3A_52] : memref<1x256xf32, #tpu.memory_space<vmem>>, vector<1x256xf32>
    %add3A_54 = vector.broadcast %get3A_53 : vector<1x256xf32> to vector<2000x256xf32>
    %add3A_55 = arith.addf %dot_general3A_50, %add3A_54 : vector<2000x256xf32>
    %max3A_56 = arith.constant 0.000000e+00 : f32
    %max3A_57 = vector.broadcast %max3A_56 : f32 to vector<2000x256xf32>
    %max3A_58 = arith.maximumf %add3A_55, %max3A_57 : vector<2000x256xf32>
    %get3A_59 = arith.constant 0 : index
    %get3A_60 = arith.constant 0 : index
    %get3A_61 = vector.load %arg8[%get3A_59, %get3A_60] : memref<256x128xf32, #tpu.memory_space<vmem>>, vector<256x128xf32>
    %dot_general3A_62 = arith.constant dense<0.000000e+00> : vector<2000x128xf32>
    %dot_general3A_63 = tpu.matmul %max3A_58, %get3A_61, %dot_general3A_62 {dimension_numbers = #tpu.dot_dimension_numbers<[1], [0], [0], [1], [0, 0, 1, 1], [], []>, transpose_lhs_hint = false} : vector<2000x256xf32>, vector<256x128xf32>, vector<2000x128xf32> -> vector<2000x128xf32>
    %add3A_64 = arith.addf %max3A_41, %dot_general3A_63 : vector<2000x128xf32>
    %get3A_65 = arith.constant 0 : index
    %get3A_66 = arith.constant 0 : index
    %get3A_67 = vector.load %arg9[%get3A_65, %get3A_66] : memref<1x128xf32, #tpu.memory_space<vmem>>, vector<1x128xf32>
    %add3A_68 = vector.broadcast %get3A_67 : vector<1x128xf32> to vector<2000x128xf32>
    %add3A_69 = arith.addf %add3A_64, %add3A_68 : vector<2000x128xf32>
    %swap3A = arith.constant 0 : index
    %swap3A_70 = arith.constant 0 : index
    %swap3A_71 = vector.load %arg10[%swap3A, %swap3A_70] : memref<2000x128xf32, #tpu.memory_space<vmem>>, vector<2000x128xf32>
    tpu.vector_store %arg10[%swap3A, %swap3A_70], %add3A_69 {strides = array<i32>} : memref<2000x128xf32, #tpu.memory_space<vmem>>, vector<2000x128xf32>,
    return
  }
  func.func @transform_0(%arg0: i32) -> (i32, i32, i32) {
    %c0_i32 = arith.constant 0 : i32
    %c0_i32_0 = arith.constant 0 : i32
    %c0_i32_1 = arith.constant 0 : i32
    return %c0_i32, %arg0, %c0_i32_0 : i32, i32, i32
  }
  func.func @transform_1(%arg0: i32) -> (i32, i32, i32) {
    %c0_i32 = arith.constant 0 : i32
    %c0_i32_0 = arith.constant 0 : i32
    %c0_i32_1 = arith.constant 0 : i32
    return %c0_i32, %arg0, %c0_i32_0 : i32, i32, i32
  }
  func.func @transform_2(%arg0: i32) -> (i32, i32) {
    %c0_i32 = arith.constant 0 : i32
    %c0_i32_0 = arith.constant 0 : i32
    return %arg0, %c0_i32 : i32, i32
  }
  func.func @transform_3(%arg0: i32) -> (i32, i32) {
    %c0_i32 = arith.constant 0 : i32
    %c0_i32_0 = arith.constant 0 : i32
    %c0_i32_1 = arith.constant 0 : i32
    return %c0_i32, %c0_i32_0 : i32, i32
  }
  func.func @transform_4(%arg0: i32) -> (i32, i32) {
    %c0_i32 = arith.constant 0 : i32
    %c0_i32_0 = arith.constant 0 : i32
    %c0_i32_1 = arith.constant 0 : i32
    return %c0_i32, %c0_i32_0 : i32, i32
  }
  func.func @transform_5(%arg0: i32) -> (i32, i32) {
    %c0_i32 = arith.constant 0 : i32
    %c0_i32_0 = arith.constant 0 : i32
    %c0_i32_1 = arith.constant 0 : i32
    return %c0_i32, %c0_i32_0 : i32, i32
  }
  func.func @transform_6(%arg0: i32) -> (i32, i32) {
    %c0_i32 = arith.constant 0 : i32
    %c0_i32_0 = arith.constant 0 : i32
    %c0_i32_1 = arith.constant 0 : i32
    return %c0_i32, %c0_i32_0 : i32, i32
  }
  func.func @transform_7(%arg0: i32) -> (i32, i32) {
    %c0_i32 = arith.constant 0 : i32
    %c0_i32_0 = arith.constant 0 : i32
    %c0_i32_1 = arith.constant 0 : i32
    return %c0_i32, %c0_i32_0 : i32, i32
  }
  func.func @transform_8(%arg0: i32) -> (i32, i32) {
    %c0_i32 = arith.constant 0 : i32
    %c0_i32_0 = arith.constant 0 : i32
    %c0_i32_1 = arith.constant 0 : i32
    return %c0_i32, %c0_i32_0 : i32, i32
  }
  func.func @transform_9(%arg0: i32) -> (i32, i32) {
    %c0_i32 = arith.constant 0 : i32
    %c0_i32_0 = arith.constant 0 : i32
    return %arg0, %c0_i32 : i32, i32
  }
}

</mosaic_0001>

<sc_bundles>
// kernel: kernel.4.cloned.1.call-start
scs
__scs_entry_jumppad:
0x0: {  	(pc) =	sbr.rel $0x88, $3  }
0x1: {  	(tag) =	ssettag $0x0;
	lr =	simm.s32 $0x1  }
0x2: {  	[smem:$0x3F99] =	sst lr;
	_ =	strace $0xD0000000  }
0x3: {  	_ = 	snop  }
0x4: {  	_ = 	snop  }
0x5: {  	_ = 	snop  }
0x6: {  	_ = 	snop  }
0x7: {  	_ = 	snop  }
__scs_overlays_trampoline_lowered:
0x8: {  	[smem:$0x3FA8] =	sst s0  }
0x9: {  	[smem:$0x3FA9] =	sst s1  }
0xa: {  	[smem:$0x3FAA] =	sst s2  }
0xb: {  	[smem:$0x3FAB] =	sst s3  }
0xc: {  	[smem:$0x3FAC] =	sst s4  }
0xd: {  	[smem:$0x3FAD] =	sst s5  }
0xe: {  	[smem:$0x3FAE] =	sst s6  }
0xf: {  	[smem:$0x3FAF] =	sst s7  }
0x10: {  	[smem:$0x3FB0] =	sst s8  }
0x11: {  	[smem:$0x3FB1] =	sst s9;
	s0 =	simm.s32 @!p0 $0x0  }
0x12: {  	s1 =	sld [smem:$0x3F97];
	s0 =	simm.s32 @p0 $0x1  }
0x13: {  	[smem:$0x3FB2] =	sst s0;
	s0 =	simm.s32 @!p1 $0x0  }
0x14: {  	s2 =	sld [smem:$0x3F96];
	s0 =	simm.s32 @p1 $0x1  }
0x15: {  	[smem:$0x3FB3] =	sst s0;
	s0 =	simm.s32 @!p2 $0x0  }
0x16: {  	s3 =	sld [smem:$0x3FDB];
	s0 =	simm.s32 @p2 $0x1  }
0x17: {  	s4 =	simm.s32 $0x1BF5;
	[smem:$0x3FB5] =	sst s0  }
0x18: {  	s0 =	sld [smem:$0x3F98];
	_ =	swait.ge [sflag:s4], $0x0  }
0x19: {  	s7 =	sld [smem:$0x3F99]  }
0x1a: {  	s8 =	sadd.s32 $0xFFFFE003, lr  }
0x1b: {  	s9 =	sadd.s32 $0xFFFFFEF7, lr;
	s5 =	simm.s32 $0xFFFFFFFF;
	p2 =	slt.u32 s8, $0xFFFFF086  }
0x1c: {  	p1 =	slt.u32 s9, $0xF7A;
	s5 =	simm.s32 @!p2 $0x0  }
0x1d: {  	s5 =	simm.s32 @p1 $0x1;
	p0 =	seq.s32 s7, s2  }
0x1e: {  	s7 =	smul.u32 @!p0 $0xF7A, s2;
	p2 =	seq.s32 @!p0 s5, $0x0  }
0x1f: {  	s9 =	smul.u32 $0xF7A, s1;
	s8 =	simm.s32 @!p0 $0x1BF5;
	p2 =	por !p2, p0  }
0x20: {  	[sflag:s8] =	ssyncset.s32 @!p0 $0xFFFFF086;
	s6 =	sadd.s32 @!p0 s3, s7;
	s7 =	simm.s32 @!p0 $0x108  }
0x21: {  	s3 =	sadd.s32 s3, s9;
	s6 =	sadd.s32 @!p0 $0x88, s6;
	s7 =	simm.s32 @p2 $0x1082  }
0x22: {  	[simem:s7], [sflag:s8] =	dma.local @!p0 [hbm:s6], $0xF7A  }
0x23: {  	s9 =	sor.u32 $0xD0000000, s2;
	s6 =	simm.s32 $0x108;
	_ =	swait.ge @!p0 [sflag:s8], $0x0  }
0x24: {  	s3 =	sadd.s32 $0x88, s3;
	s6 =	simm.s32 @!p1 $0x1082;
	[sflag:s4] =	ssyncset.s32 $0xFFFFF086  }
0x25: {  	[simem:s6], [sflag:s4] =	dma.local [hbm:s3], $0xF7A  }
0x26: {  	[smem:$0x3F99] =	sst s1;
	(tag) =	ssettag s2;
	_ =	strace s9  }
0x27: {  	s1 =	sld [smem:$0x3FA9]  }
0x28: {  	s2 =	sld [smem:$0x3FAA]  }
0x29: {  	s4 =	sld [smem:$0x3FAC]  }
0x2a: {  	p0 =	seq.s32 s5, $0x0;
	s5 =	sld [smem:$0x3FAD]  }
0x2b: {  	s6 =	sld [smem:$0x3FAE]  }
0x2c: {  	s7 =	sld [smem:$0x3FAF]  }
0x2d: {  	s3 =	simm.s32 $0x108;
	s8 =	sld [smem:$0x3FB0]  }
0x2e: {  	s3 =	simm.s32 @!p0 $0x1082;
	s9 =	sld [smem:$0x3FB1]  }
0x2f: {  	lr =	sadd.s32 s0, s3;
	s0 =	sld [smem:$0x3FA8]  }
0x30: {  	s3 =	sld [smem:$0x3FAB]  }
0x31: {  	[smem:$0x3FB4] =	sst s10  }
0x32: {  	s10 =	sld [smem:$0x3FB2];
	_ =	sdelay $0x3  }
0x33: {  	p0 =	seq.s32 s10, $0x1;
	s10 =	sld [smem:$0x3FB4];
	_ =	sdelay $0x3  }
0x34: {  	[smem:$0x3FB4] =	sst s10  }
0x35: {  	s10 =	sld [smem:$0x3FB3];
	_ =	sdelay $0x3  }
0x36: {  	p1 =	seq.s32 s10, $0x1;
	s10 =	sld [smem:$0x3FB4];
	_ =	sdelay $0x3  }
0x37: {  	[smem:$0x3FB4] =	sst s10  }
0x38: {  	s10 =	sld [smem:$0x3FB5]  }
0x39: {  	_ = 	snop;
	(pc) =	sbr.ind lr, $3  }
0x3a: {  	_ = 	snop  }
0x3b: {  	_ = 	snop  }
0x3c: {  	p2 =	seq.s32 s10, $0x1;
	s10 =	sld [smem:$0x3FB4]  }
0x3d: {  	_ =	shalt  }
0x3e: {  	_ =	shalt  }
0x3f: {  	_ =	shalt  }
0x40: {  	_ =	shalt  }
0x41: {  	_ =	shalt  }
0x42: {  	_ =	shalt  }
0x43: {  	_ =	shalt  }
0x44: {  	_ =	shalt  }
0x45: {  	_ =	shalt  }
0x46: {  	_ =	shalt  }
0x47: {  	_ =	shalt  }
0x48: {  	_ =	shalt  }
0x49: {  	_ =	shalt  }
0x4a: {  	_ =	shalt  }
0x4b: {  	_ =	shalt  }
0x4c: {  	_ =	shalt  }
0x4d: {  	_ =	shalt  }
0x4e: {  	_ =	shalt  }
0x4f: {  	_ =	shalt  }
0x50: {  	_ =	shalt  }
0x51: {  	_ =	shalt  }
0x52: {  	_ =	shalt  }
0x53: {  	_ =	shalt  }
0x54: {  	_ =	shalt  }
0x55: {  	_ =	shalt  }
0x56: {  	_ =	shalt  }
0x57: {  	_ =	shalt  }
0x58: {  	_ =	shalt  }
0x59: {  	_ =	shalt  }
0x5a: {  	_ =	shalt  }
0x5b: {  	_ =	shalt  }
0x5c: {  	_ =	shalt  }
0x5d: {  	_ =	shalt  }
0x5e: {  	_ =	shalt  }
0x5f: {  	_ =	shalt  }
0x60: {  	_ =	shalt  }
0x61: {  	_ =	shalt  }
0x62: {  	_ =	shalt  }
0x63: {  	_ =	shalt  }
0x64: {  	_ =	shalt  }
0x65: {  	_ =	shalt  }
0x66: {  	_ =	shalt  }
0x67: {  	_ =	shalt  }
0x68: {  	_ =	shalt  }
0x69: {  	_ =	shalt  }
0x6a: {  	_ =	shalt  }
0x6b: {  	_ =	shalt  }
0x6c: {  	_ =	shalt  }
0x6d: {  	_ =	shalt  }
0x6e: {  	_ =	shalt  }
0x6f: {  	_ =	shalt  }
0x70: {  	_ =	shalt  }
0x71: {  	_ =	shalt  }
0x72: {  	_ =	shalt  }
0x73: {  	_ =	shalt  }
0x74: {  	_ =	shalt  }
0x75: {  	_ =	shalt  }
0x76: {  	_ =	shalt  }
0x77: {  	_ =	shalt  }
0x78: {  	_ =	shalt  }
0x79: {  	_ =	shalt  }
0x7a: {  	_ =	shalt  }
0x7b: {  	_ =	shalt  }
0x7c: {  	_ =	shalt  }
0x7d: {  	_ =	shalt  }
0x7e: {  	_ =	shalt  }
0x7f: {  	_ =	shalt  }
0x80: {  	_ =	shalt  }
0x81: {  	_ =	shalt  }
0x82: {  	_ =	shalt  }
0x83: {  	_ =	shalt  }
0x84: {  	_ =	shalt  }
0x85: {  	_ =	shalt  }
0x86: {  	_ =	shalt  }
0x87: {  	_ =	shalt  }
.Lfunc_end0:
.L_simem_size_0:
called_computation_lowered:
.L_overlay_start_0:
0x88: {  	s2 =	sld [smem:$0x3FD9]  }
0x89: {  	s3 =	sld [smem:$0x3FFE];
	_ =	sdelay $0x1  }
0x8a: {  	s1 =	srdreg.scid  }
0x8b: {  	s0 =	sand.u32 $0x1, s1  }
0x8c: {  	s17 =	sshll.u32 s0, $0xA;
	s2 =	sadd.s32 s3, s2  }
0x8d: {  	s2 =	sadd.s32 s2, s17  }
0x8e: {  	[smem:$0x3FC0] =	sst s2  }
0x8f: {  	_ = 	snop  }
0x90: {  	s2 =	sld [smem:$0x3FD0];
	(tm) =	ssettm $0x1  }
0x91: {  	s18 =	sld [smem:$0x3FFB];
	_ =	sdelay $0x3  }
0x92: {  	_ =	strace s18  }
0x93: {  	s3 =	sld [smem:$0x3FFC];
	_ =	sdelay $0x3  }
0x94: {  	_ =	strace s3  }
0x95: {  	s3 =	sld [smem:$0x3FFD];
	_ =	sdelay $0x3  }
0x96: {  	_ =	strace s3  }
0x97: {  	_ =	strace $0x8FFFFFFF  }
0x98: {  	s19 =	sld [smem:$0x3FDB];
	_ =	sdelay $0x1  }
0x99: {  	s4 =	simm.s32 $_scs_section_size  }
0x9a: {  	s5 =	simm.s32 $_size__tile_overlayer_lowered;
	s6 =	simm.s32 $_tile_overlayer_lowered  }
0x9b: {  	s22 =	simm.s32 $0x1BFF;
	s21 =	sshll.u32 s6, $0x1;
	s3 =	sadd.s32 s4, s19  }
0x9c: {  	s7 =	simm.s32 $0x0;
	s20 =	sshll.u32 s5, $0x1;
	s5 =	sadd.s32 s21, s3  }
0x9d: {  	[timem:s7], [sflag:s22] =	dma.local [hbm:s5], s20  }
0x9e: {  	_ =	swait.ge [sflag:s22], s20  }
0x9f: {  	s4 =	ssub.s32 $0x0, s20;
	[sflag:s22] =	ssyncset.done $0x0  }
0xa0: {  	[sflag:s22] =	ssyncadd.s32 s4;
	_ =	sdelay $0x1  }
0xa1: {  	s23 =	simm.s32 $0x1B8B  }
0xa2: {  	_ =	swait.ge [sflag:s23], $0x1  }
0xa3: {  	[sflag:s23] =	ssyncset.done $0x0  }
0xa4: {  	s25 =	simm.s32 $0x1B8E;
	s24 =	sld [smem:$0x3FFE];
	[sflag:s23] =	ssyncadd.s32 $0xFFFFFFFF  }
0xa5: {  	s26 =	simm.s32 $execute0_lowered;
	[smem:$0x3FD2] =	sst s25  }
0xa6: {  	s5 =	sshll.u32 s26, $0x1;
	_ =	strace $0x80000046;
	[dreg:$0x1] =	wrdreg $0xFFFFFFFF  }
0xa7: {  	s28 =	simm.s32 $_size_execute0_lowered;
	s3 =	sadd.s32 s3, s5;
	[dreg:$0x0] =	wrdreg $0x0  }
0xa8: {  	s5 =	sshll.u32 s28, $0x1;
	[dreg:$0x2] =	wrdreg s3  }
0xa9: {  	[dreg:$0x3] =	wrdreg s5  }
0xaa: {  	[dreg:$0x4] =	wrdreg $0xC0  }
0xab: {  	_ =	task [dreg:s7], $0x5FFFF  }
0xac: {  	[dreg:$0x1] =	wrdreg $0xFFFFFFFF  }
0xad: {  	[dreg:$0x0] =	wrdreg $0x60  }
0xae: {  	[dreg:$0x2] =	wrdreg s24  }
0xaf: {  	[dreg:$0x3] =	wrdreg s2  }
0xb0: {  	[dreg:$0x4] =	wrdreg $0xAD000  }
0xb1: {  	[dreg:$0x5] =	wrdreg $0x1ED000  }
0xb2: {  	[dreg:$0x6] =	wrdreg $0x14D000  }
0xb3: {  	[dreg:$0x7] =	wrdreg $0x9  }
0xb4: {  	_ =	task.clear_ibuf [dreg:s7], $0x8FFFF;
	_ =	strace $0x90000046  }
0xb5: {  	s29 =	simm.s32 $0x9;
	_ =	strace $0x80000048  }
0xb6: {  	_ =	swait.ge [sflag:s29], $0x1  }
0xb7: {  	[sflag:s29] =	ssyncadd.s32 $0xFFFFFFFF  }
0xb8: {  	_ =	strace $0x90000048  }
0xb9: {  	_ =	sfence  }
0xba: {  	s30 =	sld [smem:$0x0];
	_ =	sdelay $0x2  }
0xbb: {  	s31 =	sshll.u32 s1, $0xD;
	s1 =	sshrl.u32 s1, $0x2  }
0xbc: {  	s3 =	sand.u32 $0x4000, s31;
	s1 =	sadd.s32 s1, s30  }
0xbd: {  	s0 =	sor.u32 s3, s0;
	s1 =	sshll.u32 s1, $0x11  }
0xbe: {  	s0 =	sor.u32 s1, s0  }
0xbf: {  	s0 =	sadd.s32 $0x8F2B, s0  }
0xc0: {  	[sflag:s0] =	ssyncadd.remote.s32 $0x1  }
0xc1: {  	_ =	sfence.sel $0xFFFF  }
0xc2: {  	[dreg:$0x0] =	wrdreg $0xFFFFFFFF;
	(pc) =	sbr.abs _section_cstart, $3  }
0xc3: {  	[dreg:$0x1] =	wrdreg $0xFFFFFFFF  }
0xc4: {  	_ =	task.clear_ibuf [dreg:s7], $0x2FFFF;
	_ =	strace $0x9FFFFFFF  }
0xc5: {  	(tm) =	ssettm $0x7FFFFFFF  }
tec
execute0_lowered:
.L_overlay_start_1:
0x0: {  	(tag) =	ssettag $0x1  }
0x1: {  	s0 =	rddreg [dreg:$0x0]  }
0x2: {  	s1 =	rddreg [dreg:$0x1]  }
0x3: {  	s2 =	rddreg [dreg:$0x2]  }
0x4: {  	s3 =	srdreg.scid;
	s4 =	rddreg [dreg:$0x3]  }
0x5: {  	s12 =	stileid.u32;
	s5 =	rddreg [dreg:$0x4]  }
0x6: {  	s7 =	simm.s32 $0x0;
	s19 =	simm.s32 $0xA00;
	s9 =	smul.u32 $0x280, s12  }
0x7: {  	s20 =	simm.s32 $0xC;
	s28 =	simm.s32 $0x8A00;
	s6 =	smul.u32 $0xA000, s12  }
0x8: {  	s29 =	simm.s32 $0x1;
	s3 =	sand.u32 $0x1, s3;
	s12 =	smul.u32 $0x28000, s12  }
0x9: {  	s30 =	simm.s32 $0x2;
	[smem:$0x7FF] =	sst s7;
	s8 =	smul.u32 $0x2800, s3  }
0xa: {  	s31 =	simm.s32 $0x3;
	s10 =	smul.u32 $0xA0000, s3;
	_ =	strace $0x80000047  }
0xb: {  	s13 =	ssub.s32 $0x2, s3;
	p0 =	sne.s32 s3, $0x0;
	p1 =	seq.s32 s3, $0x0  }
0xc: {  	s3 =	simm.s32 $0x4;
	s14 =	sshrl.u32 s13, $0x1;
	s12 =	sshrl.u32 s12, $0x2  }
0xd: {  	s17 =	sadd.s32 s6, s2;
	s18 =	sadd.s32 s9, s4;
	s16 =	sadd.s32 s6, s5  }
0xe: {  	s22 =	sshrl.u32 s6, $0x3;
	s8 =	sadd.s32 s9, s8;
	s10 =	sadd.s32 s6, s10  }
0xf: {  	s14 =	ssub.s32 s13, s14;
	s12 =	sadd.s32 s12, s2;
	s23 =	sadd.s32 s1, s22  }
0x10: {  	s9 =	simm.s32 $0xB;
	[dreg:$0xa] =	wrdreg s17;
	s11 =	sshll.u32 s8, $0x3  }
0x11: {  	s10 =	sshrl.u32 s10, $0x3;
	s25 =	sadd.s32 $0x2000, s12;
	[dreg:$0xc] =	wrdreg s23  }
0x12: {  	s8 =	sshrl.u32 s8, $0x3;
	s26 =	sadd.s32 $0x4000, s12;
	[dreg:$0x6] =	wrdreg s25  }
0x13: {  	s13 =	sadd.s32 $0x6000, s12;
	s15 =	sadd.s32 $0x8000, s12;
	[dreg:$0x7] =	wrdreg s26  }
0x14: {  	s23 =	simm.s32 $0x80;
	s11 =	sadd.s32 s11, s0;
	[dreg:$0x8] =	wrdreg s13  }
0x15: {  	s10 =	sadd.s32 s10, s0;
	[dreg:$0x9] =	wrdreg s15;
	s25 =	smax.u32 s14, $0x1  }
0x16: {  	s0 =	sadd.s32 s8, s0;
	s26 =	sshrl.u32 s16, $0x3;
	[dreg:$0xf] =	wrdreg s25  }
.Ltmp0:
0x17: {  	s21 =	sadd.s32 $0x1600, s11;
	[dreg:$0x10] =	wrdreg s26;
	(pc) =	sbr.rel .LBB2_1-.Ltmp0, $4  }
0x18: {  	s24 =	sadd.s32 $0x29600, s10;
	s0 =	sadd.s32 $0x51600, s0;
	[dreg:$0xb] =	wrdreg s21  }
0x19: {  	s25 =	simm.s32 $0x4A00;
	s26 =	simm.s32 $0x6A00;
	[dreg:$0xd] =	wrdreg s24  }
0x1a: {  	s10 =	simm.s32 $0x7;
	s11 =	simm.s32 $0x0;
	[dreg:$0xe] =	wrdreg s0  }
0x1b: {  	v0 =	vimm.f32 $0.0e+00;
	v1 =	vimm.f32 $1.000000000e+00;
	s24 =	simm.s32 $0x2A00;
	s0 =	simm.s32 $0x5;
	s21 =	simm.s32 $0x6  }
.LBB2_9:
0x1c: {  	_ =	swait.ge [sflag:s21], $0x2000  }
0x1d: {  	[sflag:s21] =	ssyncset.done $0x0  }
0x1e: {  	s8 =	simm.s32 @p1 $0x6;
	[sflag:s21] =	ssyncadd.s32 $0xFFFFE000  }
0x1f: {  	_ =	swait.ge @p1 [sflag:s8], $0x80  }
0x20: {  	[sflag:s8] =	ssyncset.done @p1 $0x0  }
0x21: {  	[sflag:s8] =	ssyncadd.s32 @p1 $0xFFFFFF80;
	s8 =	simm.s32 @p1 $0x7  }
0x22: {  	_ =	swait.ge @p1 [sflag:s8], $0x2000  }
0x23: {  	[sflag:s8] =	ssyncset.done @p1 $0x0  }
0x24: {  	[sflag:s8] =	ssyncadd.s32 @p1 $0xFFFFE000;
	s8 =	simm.s32 @p1 $0x8  }
0x25: {  	_ =	swait.ge @p1 [sflag:s8], $0x2000  }
0x26: {  	[sflag:s8] =	ssyncset.done @p1 $0x0  }
0x27: {  	[sflag:s8] =	ssyncadd.s32 @p1 $0xFFFFE000  }
0x28: {  	_ =	swait.ge @p1 [sflag:s8], $0x80  }
0x29: {  	[sflag:s8] =	ssyncset.done @p1 $0x0  }
0x2a: {  	[sflag:s8] =	ssyncadd.s32 @p1 $0xFFFFFF80;
	s8 =	simm.s32 @p1 $0x9  }
0x2b: {  	_ =	swait.ge @p1 [sflag:s8], $0x2000  }
0x2c: {  	[sflag:s8] =	ssyncset.done @p1 $0x0  }
0x2d: {  	[sflag:s8] =	ssyncadd.s32 @p1 $0xFFFFE000;
	s8 =	simm.s32 @p1 $0xA  }
0x2e: {  	_ =	swait.ge @p1 [sflag:s8], $0x2000  }
0x2f: {  	[sflag:s8] =	ssyncset.done @p1 $0x0  }
0x30: {  	[sflag:s8] =	ssyncadd.s32 @p1 $0xFFFFE000  }
0x31: {  	_ =	swait.ge @p1 [sflag:s8], $0x80  }
0x32: {  	[sflag:s8] =	ssyncset.done @p1 $0x0  }
0x33: {  	[sflag:s8] =	ssyncadd.s32 @p1 $0xFFFFFF80;
	s8 =	simm.s32 @!p1 $0x7  }
0x34: {  	_ =	swait.ge @!p1 [sflag:s8], $0x2000  }
0x35: {  	[sflag:s8] =	ssyncset.done @!p1 $0x0  }
0x36: {  	[sflag:s8] =	ssyncadd.s32 @!p1 $0xFFFFE000  }
0x37: {  	_ =	swait.ge @!p1 [sflag:s8], $0x80  }
0x38: {  	[sflag:s8] =	ssyncset.done @!p1 $0x0  }
0x39: {  	[sflag:s8] =	ssyncadd.s32 @!p1 $0xFFFFFF80;
	s8 =	simm.s32 @!p1 $0x8  }
0x3a: {  	_ =	swait.ge @!p1 [sflag:s8], $0x2000  }
0x3b: {  	[sflag:s8] =	ssyncset.done @!p1 $0x0  }
0x3c: {  	[sflag:s8] =	ssyncadd.s32 @!p1 $0xFFFFE000;
	s8 =	simm.s32 @!p1 $0x9  }
0x3d: {  	_ =	swait.ge @!p1 [sflag:s8], $0x2000  }
0x3e: {  	[sflag:s8] =	ssyncset.done @!p1 $0x0  }
0x3f: {  	[sflag:s8] =	ssyncadd.s32 @!p1 $0xFFFFE000  }
0x40: {  	_ =	swait.ge @!p1 [sflag:s8], $0x80  }
0x41: {  	[sflag:s8] =	ssyncset.done @!p1 $0x0  }
0x42: {  	[sflag:s8] =	ssyncadd.s32 @!p1 $0xFFFFFF80;
	s8 =	simm.s32 @!p1 $0xA  }
0x43: {  	_ =	swait.ge @!p1 [sflag:s8], $0x2000  }
0x44: {  	[sflag:s8] =	ssyncset.done @!p1 $0x0  }
0x45: {  	[sflag:s8] =	ssyncadd.s32 @!p1 $0xFFFFE000  }
0x46: {  	[bflag:$0x0] =	sbarrier.arrive $0xFFFF  }
0x47: {  	s17 =	rddreg [dreg:$0xa]  }
0x48: {  	s14 =	rddreg [dreg:$0xd];
	s22 =	sshrl.u32 s17, $0x3  }
0x49: {  	[hbm:s14], [sflag:s12] =	dma.local [spmem:s22], $0x1400  }
0x4a: {  	_ =	swait.ge [sflag:s20], $0x1400  }
0x4b: {  	[sflag:s20] =	ssyncset.done $0x0  }
0x4c: {  	s15 =	sshrl.u32 s13, $0x3;
	s16 =	rddreg [dreg:$0xe];
	[sflag:s20] =	ssyncadd.s32 $0xFFFFEC00  }
0x4d: {  	[hbm:s16], [sflag:s12] =	dma.local [spmem:s15], $0x50  }
0x4e: {  	_ =	swait.ge [sflag:s20], $0x50  }
0x4f: {  	s11 =	sadd.s32 $0x1, s11;
	s22 =	rddreg [dreg:$0xf]  }
0x50: {  	p2 =	sne.s32 s11, s22  }
.Ltmp1:
0x51: {  	_ = 	snop;
	(pc) =	sbr.rel @!p2 .LBB2_10-.Ltmp1, $3  }
0x52: {  	_ =	sdelay $0x1  }
0x53: {  	[sflag:s20] =	ssyncset.done $0x0  }
0x54: {  	s18 =	smov.u32 s13;
	[sflag:s20] =	ssyncadd.s32 $0xFFFFFFB0  }
.LBB2_1:
0x55: {  	s12 =	sand.u32 $0x7F00, s7  }
0x56: {  	s14 =	sand.u32 $0x30, s7;
	s15 =	sshrl.u32 s12, $0x2  }
0x57: {  	s12 =	simm.s32 $0x40;
	s15 =	sor.u32 s14, s15;
	s14 =	simm.s32 $0x0  }
.LBB2_2:
0x58: {  	p2 =	sne.s32 s12, $0x7FC0  }
0x59: {  	[tilespmem:s15+$0xA00] =	vst v0;
	s14 =	sadd.s32 $0x10, s14;
	s15 =	smov.u32 s12;
	s12 =	sadd.s32 $0x40, s12  }
.Ltmp2:
0x5a: {  	(pc) =	sbr.rel @p2 .LBB2_2-.Ltmp2, $4  }
0x5b: {  	_ = 	snop  }
0x5c: {  	s15 =	sand.u32 $0x7F00, s15  }
0x5d: {  	s16 =	sand.u32 $0x30, s14;
	s15 =	sshrl.u32 s15, $0x2  }
0x5e: {  	s15 =	sor.u32 s16, s15  }
0x5f: {  	[tilespmem:s15+$0xA00] =	vst v0  }
0x60: {  	[tilespmem:$0xAA80] =	vst v0  }
0x61: {  	[tilespmem:$0xAA90] =	vst v0  }
0x62: {  	[tilespmem:$0xAAA0] =	vst v0  }
0x63: {  	[tilespmem:$0xAAB0] =	vst v0  }
0x64: {  	[tilespmem:$0xAAC0] =	vst v0  }
0x65: {  	[tilespmem:$0xAAD0] =	vst v0  }
0x66: {  	[tilespmem:$0xAAE0] =	vst v0  }
0x67: {  	[tilespmem:$0xAAF0] =	vst v0  }
0x68: {  	[tilespmem:$0xAB00] =	vst v0  }
0x69: {  	[tilespmem:$0xAB10] =	vst v0  }
0x6a: {  	[tilespmem:$0xAB20] =	vst v0  }
0x6b: {  	[tilespmem:$0xAB30] =	vst v0  }
0x6c: {  	[tilespmem:$0xAB40] =	vst v0  }
0x6d: {  	[tilespmem:$0xAB50] =	vst v0  }
0x6e: {  	[tilespmem:$0xAB60] =	vst v0  }
0x6f: {  	[tilespmem:$0xAB70] =	vst v0  }
0x70: {  	[tilespmem:$0xAB80] =	vst v0  }
0x71: {  	[tilespmem:$0xAB90] =	vst v0  }
0x72: {  	[tilespmem:$0xABA0] =	vst v0  }
0x73: {  	[tilespmem:$0xABB0] =	vst v0  }
0x74: {  	[tilespmem:$0xABC0] =	vst v0  }
0x75: {  	[tilespmem:$0xABD0] =	vst v0  }
0x76: {  	[tilespmem:$0xABE0] =	vst v0  }
0x77: {  	[tilespmem:$0xABF0] =	vst v0  }
0x78: {  	[tilespmem:$0xAC00] =	vst v0  }
0x79: {  	[tilespmem:$0xAC10] =	vst v0  }
0x7a: {  	[tilespmem:$0xAC20] =	vst v0  }
0x7b: {  	[tilespmem:$0xAC30] =	vst v0  }
0x7c: {  	[tilespmem:$0xAC40] =	vst v0  }
0x7d: {  	[tilespmem:$0xAC50] =	vst v0  }
0x7e: {  	[tilespmem:$0xAC60] =	vst v0  }
0x7f: {  	[tilespmem:$0xAC70] =	vst v0  }
0x80: {  	[tilespmem:$0xAC80] =	vst v0  }
0x81: {  	[tilespmem:$0xAC90] =	vst v0  }
0x82: {  	[tilespmem:$0xACA0] =	vst v0  }
0x83: {  	[tilespmem:$0xACB0] =	vst v0  }
0x84: {  	[tilespmem:$0xACC0] =	vst v0  }
0x85: {  	[tilespmem:$0xACD0] =	vst v0  }
0x86: {  	[tilespmem:$0xACE0] =	vst v0  }
0x87: {  	[tilespmem:$0xACF0] =	vst v0  }
0x88: {  	[tilespmem:$0xAA00] =	vst v1  }
0x89: {  	[tilespmem:$0xAA10] =	vst v1  }
0x8a: {  	[tilespmem:$0xAA20] =	vst v1  }
0x8b: {  	[tilespmem:$0xAA30] =	vst v1  }
0x8c: {  	[tilespmem:$0xAA40] =	vst v1  }
0x8d: {  	[tilespmem:$0xAA50] =	vst v1  }
0x8e: {  	[tilespmem:$0xAA60] =	vst v1  }
0x8f: {  	[tilespmem:$0xAA70] =	vst v1  }
0x90: {  	[spmem:s17] =	stream.linear.scatter [tilespmem:s19], [sflag:$0xC], $0x2000, $0x38;
	[tilespmem:$0x1EF80] =	vst v63  }
0x91: {  	_ =	swait.ge [sflag:s20], $0x2000  }
0x92: {  	[sflag:s20] =	ssyncset.done $0x0  }
0x93: {  	s8 =	rddreg [dreg:$0x6];
	[sflag:s20] =	ssyncadd.s32 $0xFFFFE000  }
0x94: {  	[spmem:s8] =	stream.linear.scatter [tilespmem:s19], [sflag:$0xC], $0x2000, $0x38;
	[tilespmem:$0x1EF80] =	vst v63  }
0x95: {  	_ =	swait.ge [sflag:s20], $0x2000  }
0x96: {  	[sflag:s20] =	ssyncset.done $0x0  }
0x97: {  	s13 =	rddreg [dreg:$0x7];
	[sflag:s20] =	ssyncadd.s32 $0xFFFFE000  }
0x98: {  	[spmem:s13] =	stream.linear.scatter [tilespmem:s19], [sflag:$0xC], $0x2000, $0x38;
	[tilespmem:$0x1EF80] =	vst v63  }
0x99: {  	_ =	swait.ge [sflag:s20], $0x2000  }
0x9a: {  	[sflag:s20] =	ssyncset.done $0x0  }
0x9b: {  	s14 =	rddreg [dreg:$0x8];
	[sflag:s20] =	ssyncadd.s32 $0xFFFFE000  }
0x9c: {  	[spmem:s14] =	stream.linear.scatter [tilespmem:s19], [sflag:$0xC], $0x2000, $0x38;
	[tilespmem:$0x1EF80] =	vst v63  }
0x9d: {  	_ =	swait.ge [sflag:s20], $0x2000  }
0x9e: {  	[sflag:s20] =	ssyncset.done $0x0  }
0x9f: {  	s15 =	rddreg [dreg:$0x9];
	[sflag:s20] =	ssyncadd.s32 $0xFFFFE000  }
0xa0: {  	[spmem:s15] =	stream.linear.scatter [tilespmem:s19], [sflag:$0xC], $0x2000, $0x38;
	[tilespmem:$0x1EF80] =	vst v63  }
0xa1: {  	_ =	swait.ge [sflag:s20], $0x2000  }
0xa2: {  	[sflag:s20] =	ssyncset.done $0x0  }
0xa3: {  	s16 =	simm.s32 $0xAA80;
	s17 =	stileid.u32;
	[sflag:s20] =	ssyncadd.s32 $0xFFFFE000  }
0xa4: {  	[spmem:s18] =	stream.linear.scatter [tilespmem:s16], [sflag:$0xC], $0x280, $0x38;
	[tilespmem:$0x1EF80] =	vst v63  }
0xa5: {  	s12 =	sshll.u32 s17, $0x6;
	_ =	swait.ge [sflag:s20], $0x280  }
0xa6: {  	s13 =	smov.u32 s18;
	[sflag:s20] =	ssyncset.done $0x0;
	s18 =	rddreg [dreg:$0xb]  }
0xa7: {  	s12 =	sor.u32 $0x1C0C, s12;
	s14 =	rddreg [dreg:$0x10];
	[sflag:s20] =	ssyncadd.s32 $0xFFFFFD80  }
0xa8: {  	[spmem:s14], [sflag:s12] =	dma.local [hbm:s18], $0x1400  }
0xa9: {  	_ =	swait.ge [sflag:s20], $0x1400  }
0xaa: {  	[sflag:s20] =	ssyncset.done $0x0  }
0xab: {  	s17 =	simm.s32 $0x0;
	s22 =	rddreg [dreg:$0xc];
	[sflag:s20] =	ssyncadd.s32 $0xFFFFEC00  }
0xac: {  	[tilespmem:s17], [sflag:$0xC] =	stream.linear.gather [hbm4b:s22+s17], $0x500, $0x38;
	[tilespmem:$0x1EF80] =	vst v63  }
.Ltmp3:
0xad: {  	_ =	swait.ge [sflag:s20], $0x500;
	(pc) =	sbr.rel .LBB2_4-.Ltmp3, $3  }
0xae: {  	[sflag:s20] =	ssyncset.done $0x0  }
0xaf: {  	[sflag:s20] =	ssyncadd.s32 $0xFFFFFB00  }
0xb0: {  	[bflag:$0x0] =	sbarrier.arrive $0xFFFF;
	_ =	sdelay $0x1  }
.LBB2_11:
0xb1: {  	s14 =	sshrl.u32 s16, $0x2  }
0xb2: {  	[tilespmem:s19], [sflag:$0x1] =	stream.indirect.gather [spmem:s5], $0x40, s14, s23, $0xb8;
	[tilespmem:$0x1EF80] =	vst v63  }
0xb3: {  	s8 =	sor.u32 $0x80, s14  }
0xb4: {  	[tilespmem:s24], [sflag:$0x2] =	stream.indirect.gather [spmem:s5], $0x40, s8, s23, $0xb8;
	[tilespmem:$0x1EF80] =	vst v63  }
0xb5: {  	s17 =	sadd.s32 $0x100, s14  }
0xb6: {  	[tilespmem:s25], [sflag:$0x3] =	stream.indirect.gather [spmem:s5], $0x40, s17, s23, $0xb8;
	[tilespmem:$0x1EF80] =	vst v63  }
0xb7: {  	s18 =	sadd.s32 $0x180, s14  }
0xb8: {  	[tilespmem:s26], [sflag:$0x4] =	stream.indirect.gather [spmem:s5], $0x40, s18, s23, $0xb8;
	[tilespmem:$0x1EF80] =	vst v63  }
0xb9: {  	s16 =	simm.s32 $0x1;
	s22 =	sadd.s32 $0x200, s14  }
0xba: {  	[tilespmem:s28], [sflag:$0x5] =	stream.indirect.gather [spmem:s5], $0x40, s22, s23, $0xb8;
	[tilespmem:$0x1EF80] =	vst v63  }
.LBB2_7:
0xbb: {  	s8 =	smul.u32 $0x500, s16  }
0xbc: {  	s15 =	sxor.u32 $0x1, s15  }
0xbd: {  	s15 =	smul.u32 $0x1400, s15;
	s8 =	sadd.s32 s6, s8  }
0xbe: {  	s8 =	sshrl.u32 s8, $0x3  }
0xbf: {  	s15 =	sshrl.u32 s15, $0x2;
	s8 =	sadd.s32 s1, s8  }
0xc0: {  	[tilespmem:s15], [sflag:$0xB] =	stream.linear.gather [hbm4b:s8+s7], $0x500, $0x38;
	[tilespmem:$0x1EF80] =	vst v63  }
.LBB2_8:
0xc1: {  	_ =	swait.ge [sflag:s29], $0x2000  }
0xc2: {  	[sflag:s29] =	ssyncset.done $0x0  }
0xc3: {  	s8 =	sadd.s32 $0x280, s14;
	[sflag:s29] =	ssyncadd.s32 $0xFFFFE000  }
0xc4: {  	[spmem:s2] =	stream.indirect.scatter.add.f32 [tilespmem:s19], [sflag:$0x6], $0x40, s8, s23, $0xb8;
	[tilespmem:$0x1EF80] =	vst v63  }
0xc5: {  	s15 =	simm.s32 @!p0 $0x80;
	s17 =	simm.s32 @!p0 $0xAA00  }
0xc6: {  	[spmem:s4] =	stream.indirect.scatter.add.f32 @!p0 [tilespmem:s17], [sflag:$0x6], $0x1, s8, s15, $0xb8;
	[tilespmem:$0x1EF80] =	vst v63  }
0xc7: {  	_ =	swait.ge [sflag:s30], $0x2000  }
0xc8: {  	[sflag:s30] =	ssyncset.done $0x0  }
0xc9: {  	s8 =	sadd.s32 $0x300, s14;
	[sflag:s30] =	ssyncadd.s32 $0xFFFFE000  }
0xca: {  	[spmem:s2] =	stream.indirect.scatter.add.f32 [tilespmem:s24], [sflag:$0x7], $0x40, s8, s23, $0xb8;
	[tilespmem:$0x1EF80] =	vst v63  }
0xcb: {  	s18 =	simm.s32 @!p1 $0x80;
	s22 =	simm.s32 @!p1 $0xAA00  }
0xcc: {  	[spmem:s4] =	stream.indirect.scatter.add.f32 @!p1 [tilespmem:s22], [sflag:$0x7], $0x1, s8, s18, $0xb8;
	[tilespmem:$0x1EF80] =	vst v63  }
0xcd: {  	_ =	swait.ge [sflag:s31], $0x2000  }
0xce: {  	[sflag:s31] =	ssyncset.done $0x0  }
0xcf: {  	s8 =	sadd.s32 $0x380, s14;
	[sflag:s31] =	ssyncadd.s32 $0xFFFFE000  }
0xd0: {  	[spmem:s2] =	stream.indirect.scatter.add.f32 [tilespmem:s25], [sflag:$0x8], $0x40, s8, s23, $0xb8;
	[tilespmem:$0x1EF80] =	vst v63  }
0xd1: {  	_ = 	snop  }
0xd2: {  	[spmem:s4] =	stream.indirect.scatter.add.f32 @!p0 [tilespmem:s17], [sflag:$0x8], $0x1, s8, s15, $0xb8;
	[tilespmem:$0x1EF80] =	vst v63  }
0xd3: {  	_ =	swait.ge [sflag:s3], $0x2000  }
0xd4: {  	[sflag:s3] =	ssyncset.done $0x0  }
0xd5: {  	s8 =	sadd.s32 $0x400, s14;
	[sflag:s3] =	ssyncadd.s32 $0xFFFFE000  }
0xd6: {  	[spmem:s2] =	stream.indirect.scatter.add.f32 [tilespmem:s26], [sflag:$0x9], $0x40, s8, s23, $0xb8;
	[tilespmem:$0x1EF80] =	vst v63  }
0xd7: {  	_ = 	snop  }
0xd8: {  	[spmem:s4] =	stream.indirect.scatter.add.f32 @!p1 [tilespmem:s22], [sflag:$0x9], $0x1, s8, s18, $0xb8;
	[tilespmem:$0x1EF80] =	vst v63  }
0xd9: {  	_ =	swait.ge [sflag:s0], $0x2000  }
0xda: {  	p2 =	sne.s32 s16, $0x20;
	[sflag:s0] =	ssyncset.done $0x0  }
.Ltmp4:
0xdb: {  	s8 =	sadd.s32 $0x480, s14;
	[sflag:s0] =	ssyncadd.s32 $0xFFFFE000;
	(pc) =	sbr.rel @!p2 .LBB2_9-.Ltmp4, $4  }
0xdc: {  	[spmem:s2] =	stream.indirect.scatter.add.f32 [tilespmem:s28], [sflag:$0xA], $0x40, s8, s23, $0xb8;
	[tilespmem:$0x1EF80] =	vst v63  }
0xdd: {  	_ = 	snop  }
0xde: {  	[spmem:s4] =	stream.indirect.scatter.add.f32 @!p0 [tilespmem:s17], [sflag:$0xA], $0x1, s8, s15, $0xb8;
	[tilespmem:$0x1EF80] =	vst v63  }
0xdf: {  	s17 =	smov.u32 s16  }
.LBB2_4:
0xe0: {  	p2 =	seq.s32 s17, $0x0  }
.Ltmp5:
0xe1: {  	_ = 	snop;
	(pc) =	sbr.rel @p2 .LBB2_11-.Ltmp5, $3  }
0xe2: {  	s15 =	sand.u32 $0x1, s17  }
0xe3: {  	s16 =	smul.u32 $0x1400, s15;
	_ =	sdelay $0x1  }
0xe4: {  	s14 =	sshrl.u32 s16, $0x2  }
0xe5: {  	_ =	swait.ge [sflag:s9], $0x500  }
0xe6: {  	[sflag:s9] =	ssyncset.done $0x0  }
0xe7: {  	[sflag:s9] =	ssyncadd.s32 $0xFFFFFB00  }
0xe8: {  	_ =	swait.ge [sflag:s21], $0x2000  }
0xe9: {  	[sflag:s21] =	ssyncset.done $0x0  }
0xea: {  	s16 =	simm.s32 @!p0 $0x6;
	[sflag:s21] =	ssyncadd.s32 $0xFFFFE000  }
0xeb: {  	_ =	swait.ge @!p0 [sflag:s16], $0x80  }
0xec: {  	[sflag:s16] =	ssyncset.done @!p0 $0x0  }
0xed: {  	[sflag:s16] =	ssyncadd.s32 @!p0 $0xFFFFFF80  }
0xee: {  	[tilespmem:s19], [sflag:$0x1] =	stream.indirect.gather [spmem:s5], $0x40, s14, s23, $0xb8;
	[tilespmem:$0x1EF80] =	vst v63  }
0xef: {  	_ =	swait.ge [sflag:s10], $0x2000  }
0xf0: {  	s18 =	simm.s32 @p1 $0x80;
	[sflag:s10] =	ssyncset.done $0x0  }
0xf1: {  	s22 =	simm.s32 @p1 $0x2A00;
	s16 =	sadd.s32 @p1 $0x80, s14;
	[sflag:s10] =	ssyncadd.s32 $0xFFFFE000  }
0xf2: {  	[tilespmem:s22], [sflag:$0x2] =	stream.indirect.gather @p1 [spmem:s5], $0x40, s16, s18, $0xb8;
	[tilespmem:$0x1EF80] =	vst v63  }
0xf3: {  	s16 =	simm.s32 @p1 $0x8  }
0xf4: {  	_ =	swait.ge @p1 [sflag:s16], $0x2000  }
0xf5: {  	[sflag:s16] =	ssyncset.done @p1 $0x0  }
0xf6: {  	[sflag:s16] =	ssyncadd.s32 @p1 $0xFFFFE000  }
0xf7: {  	_ =	swait.ge @p1 [sflag:s16], $0x80  }
0xf8: {  	[sflag:s16] =	ssyncset.done @p1 $0x0  }
0xf9: {  	s22 =	sadd.s32 $0x100, s14;
	[sflag:s16] =	ssyncadd.s32 @p1 $0xFFFFFF80;
	s16 =	simm.s32 @p1 $0x4A00  }
0xfa: {  	[tilespmem:s16], [sflag:$0x3] =	stream.indirect.gather @p1 [spmem:s5], $0x40, s22, s18, $0xb8;
	[tilespmem:$0x1EF80] =	vst v63  }
0xfb: {  	s16 =	simm.s32 @p1 $0x9  }
0xfc: {  	_ =	swait.ge @p1 [sflag:s16], $0x2000  }
0xfd: {  	[sflag:s16] =	ssyncset.done @p1 $0x0  }
0xfe: {  	s8 =	simm.s32 @p1 $0x6A00;
	[sflag:s16] =	ssyncadd.s32 @p1 $0xFFFFE000;
	s16 =	sadd.s32 @p1 $0x180, s14  }
0xff: {  	[tilespmem:s8], [sflag:$0x4] =	stream.indirect.gather @p1 [spmem:s5], $0x40, s16, s18, $0xb8;
	[tilespmem:$0x1EF80] =	vst v63  }
0x100: {  	s8 =	simm.s32 @p1 $0xA  }
0x101: {  	_ =	swait.ge @p1 [sflag:s8], $0x2000  }
0x102: {  	[sflag:s8] =	ssyncset.done @p1 $0x0  }
0x103: {  	[sflag:s8] =	ssyncadd.s32 @p1 $0xFFFFE000  }
0x104: {  	_ =	swait.ge @p1 [sflag:s8], $0x80  }
0x105: {  	[sflag:s8] =	ssyncset.done @p1 $0x0  }
0x106: {  	[sflag:s8] =	ssyncadd.s32 @p1 $0xFFFFFF80;
	s8 =	simm.s32 @!p1 $0x7  }
0x107: {  	_ =	swait.ge @!p1 [sflag:s8], $0x80  }
0x108: {  	s16 =	simm.s32 @!p1 $0x80;
	[sflag:s8] =	ssyncset.done @!p1 $0x0  }
0x109: {  	s18 =	simm.s32 @!p1 $0x2A00;
	[sflag:s8] =	ssyncadd.s32 @!p1 $0xFFFFFF80;
	s8 =	sadd.s32 @!p1 $0x80, s14  }
0x10a: {  	[tilespmem:s18], [sflag:$0x2] =	stream.indirect.gather @!p1 [spmem:s5], $0x40, s8, s16, $0xb8;
	[tilespmem:$0x1EF80] =	vst v63  }
0x10b: {  	s8 =	simm.s32 @!p1 $0x8  }
0x10c: {  	_ =	swait.ge @!p1 [sflag:s8], $0x2000  }
0x10d: {  	[sflag:s8] =	ssyncset.done @!p1 $0x0  }
0x10e: {  	[sflag:s8] =	ssyncadd.s32 @!p1 $0xFFFFE000;
	s8 =	simm.s32 @!p1 $0x4A00  }
0x10f: {  	[tilespmem:s8], [sflag:$0x3] =	stream.indirect.gather @!p1 [spmem:s5], $0x40, s22, s16, $0xb8;
	[tilespmem:$0x1EF80] =	vst v63  }
0x110: {  	s8 =	simm.s32 @!p1 $0x9  }
0x111: {  	_ =	swait.ge @!p1 [sflag:s8], $0x2000  }
0x112: {  	[sflag:s8] =	ssyncset.done @!p1 $0x0  }
0x113: {  	[sflag:s8] =	ssyncadd.s32 @!p1 $0xFFFFE000  }
0x114: {  	_ =	swait.ge @!p1 [sflag:s8], $0x80  }
0x115: {  	p2 =	seq.s32 s17, $0x1F;
	[sflag:s8] =	ssyncset.done @!p1 $0x0  }
0x116: {  	s18 =	simm.s32 @!p1 $0x6A00;
	[sflag:s8] =	ssyncadd.s32 @!p1 $0xFFFFFF80;
	s8 =	sadd.s32 @!p1 $0x180, s14  }
0x117: {  	[tilespmem:s18], [sflag:$0x4] =	stream.indirect.gather @!p1 [spmem:s5], $0x40, s8, s16, $0xb8;
	[tilespmem:$0x1EF80] =	vst v63  }
.Ltmp6:
0x118: {  	s8 =	simm.s32 @!p1 $0xA;
	(pc) =	sbr.rel @p2 .LBB2_8-.Ltmp6, $4  }
0x119: {  	_ =	swait.ge @!p1 [sflag:s8], $0x2000  }
0x11a: {  	[sflag:s8] =	ssyncset.done @!p1 $0x0  }
0x11b: {  	s22 =	sadd.s32 $0x200, s14;
	s16 =	simm.s32 $0x20;
	[sflag:s8] =	ssyncadd.s32 @!p1 $0xFFFFE000  }
0x11c: {  	[tilespmem:s28], [sflag:$0x5] =	stream.indirect.gather [spmem:s5], $0x40, s22, s23, $0xb8;
	[tilespmem:$0x1EF80] =	vst v63  }
.Ltmp7:
0x11d: {  	(pc) =	sbr.rel .LBB2_7-.Ltmp7, $2  }
0x11e: {  	_ =	sdelay $0x2  }
0x11f: {  	s16 =	sadd.s32 $0x1, s17  }
.LBB2_10:
0x120: {  	_ =	sfence.sel $0x180000  }
0x121: {  	[bflag:$0x0] =	sbarrier.arrive $0xFFFF  }
0x122: {  	_ =	strace $0x90000047  }
0x123: {  	s0 =	stileid.u32;
	[bflag:$0x2] =	sbarrier.arrive $0xFFFF  }
0x124: {  	p0 =	sne.s32 s0, $0x0;
	s0 =	rddreg [dreg:$0x5]  }
0x125: {  	s0 =	sadd.s32 @!p0 $0x100000, s0  }
0x126: {  	[sflag:s0] =	ssyncadd.tile.s32 @!p0 $0x1;
	_ =	shalt  }
.Lfunc_end2:
_tile_overlayer_lowered:
.L_overlay_start_2:
0x127: {  	(tag) =	ssettag $0x2  }
0x128: {  	s0 =	rddreg [dreg:$0x0];
	s2 =	stileid.u32  }
0x129: {  	s1 =	rddreg [dreg:$0x1];
	p0 =	sne.s32 s2, $0x0  }
0x12a: {  	s3 =	rddreg [dreg:$0x2];
	[bflag:$0x3] =	sbarrier.arrive $0xFFFF;
	s2 =	simm.s32 @!p0 $0x1C0C  }
0x12b: {  	[timem:s3], [sflag:s2] =	dma.local @!p0 [hbm:s0], s1  }
0x12c: {  	s0 =	simm.s32 @!p0 $0xC  }
0x12d: {  	_ =	swait.ge @!p0 [sflag:s0], s1  }
0x12e: {  	s1 =	ssub.s32 @!p0 $0x0, s1;
	[sflag:s0] =	ssyncset.done @!p0 $0x0  }
0x12f: {  	[sflag:s0] =	ssyncadd.s32 @!p0 s1  }
0x130: {  	[bflag:$0x3] =	sbarrier.arrive $0xFFFF  }
0x131: {  	_ =	shalt  }

</sc_bundles>
